<compile_context>
chip_gen: v7x
topology: tpu7x:2x2x1
jax: 0.10.2.dev20260603
libtpu: 0.0.44.dev20260713+nightly
codegen_flags: <defaults>
</compile_context>

<pallas_src>
import functools

import jax
import jax.numpy as jnp
from jax import lax
from jax.experimental import pallas as pl
from jax.experimental.pallas import tpu as pltpu
from jax.experimental.pallas import tpu_sc as plsc


def _sc_gather_rows(table, idx):
    num_rows = idx.shape[0]
    d = table.shape[1]
    info = plsc.get_sparse_core_info()
    nw = info.num_cores * info.num_subcores
    rows_per_w = num_rows // nw
    mesh = plsc.VectorSubcoreMesh(core_axis_name="c", subcore_axis_name="s")

    @functools.partial(
        pl.kernel,
        mesh=mesh,
        out_type=jax.ShapeDtypeStruct((num_rows, d), table.dtype),
        scratch_types=[
            pltpu.VMEM((rows_per_w,), jnp.int32),
            pltpu.VMEM((rows_per_w, d), table.dtype),
            pltpu.SemaphoreType.DMA,
        ],
    )
    def gather_kernel(table_hbm, idx_hbm, out_hbm, idx_v, rows_v, sem):
        wid = lax.axis_index("s") * info.num_cores + lax.axis_index("c")
        base = wid * rows_per_w
        pltpu.sync_copy(idx_hbm.at[pl.ds(base, rows_per_w)], idx_v)
        pltpu.async_copy(table_hbm.at[idx_v], rows_v, sem).wait()
        pltpu.sync_copy(rows_v, out_hbm.at[pl.ds(base, rows_per_w)])

    return gather_kernel(table, idx)


def _rui_attention(norm_rui, item_h, user_h, memt_h, mem_h, bu=1024):
    u, i = norm_rui.shape
    d = item_h.shape[1]
    nm = mem_h.shape[0]
    nsteps = u // bu
    cb = nm // nsteps

    def body(rui_ref, itemh_ref, userh_ref, memt_ref, mem_ref,
             a_ref, b_ref, att_ref):
        uo = pl.program_id(0)

        @pl.when(uo == 0)
        def _():
            b_ref[...] = jnp.zeros_like(b_ref)
            att_ref[...] = jnp.zeros_like(att_ref)

        t = rui_ref[...].astype(jnp.bfloat16)
        a_ref[pl.ds(uo * bu, bu), :] = jnp.dot(
            t, itemh_ref[...], preferred_element_type=jnp.float32)
        b_ref[...] += lax.dot_general(
            t, userh_ref[pl.ds(uo * bu, bu), :], (((0,), (0,)), ((), ())),
            preferred_element_type=jnp.float32)

        e = jnp.dot(itemh_ref[...], memt_ref[...],
                    preferred_element_type=jnp.float32)
        cmax = jnp.max(e, axis=0, keepdims=True)
        ex = jnp.exp(e - cmax)
        rinv = (1.0 / jnp.sum(ex, axis=0, keepdims=True)).astype(jnp.bfloat16)
        w = ex.astype(jnp.bfloat16) * rinv
        att_ref[...] += jnp.dot(w, mem_ref[...],
                                preferred_element_type=jnp.float32)

    return pl.pallas_call(
        body,
        grid=(nsteps,),
        in_specs=[
            pl.BlockSpec((bu, i), lambda uo: (uo, 0)),
            pl.BlockSpec((i, d), lambda uo: (0, 0)),
            pl.BlockSpec((u, d), lambda uo: (0, 0)),
            pl.BlockSpec((d, cb), lambda uo: (0, uo)),
            pl.BlockSpec((cb, d), lambda uo: (uo, 0)),
        ],
        out_specs=[
            pl.BlockSpec((u, d), lambda uo: (0, 0)),
            pl.BlockSpec((i, d), lambda uo: (0, 0)),
            pl.BlockSpec((i, d), lambda uo: (0, 0)),
        ],
        out_shape=[
            jax.ShapeDtypeStruct((u, d), jnp.float32),
            jax.ShapeDtypeStruct((i, d), jnp.float32),
            jax.ShapeDtypeStruct((i, d), jnp.float32),
        ],
        compiler_params=pltpu.CompilerParams(
            vmem_limit_bytes=63 * 1024 * 1024),
    )(norm_rui, item_h, user_h, memt_h, mem_h)


def _leaky_l2norm(x):
    y = jnp.where(x >= 0, x, 0.01 * x)
    n = jnp.sqrt(jnp.sum(y * y, axis=1, keepdims=True))
    return y / jnp.maximum(n, 1e-12)


def _finalize(group_emb, user_emb, item_emb, att_item, a_mat, b_mat,
              norm_rgi, norm_rgu, Wu, bu, Wi, bi, Wg, bg, rb=512):
    g, d = group_emb.shape
    u = user_emb.shape[0]
    nb = u // rb

    def lin(x, w_ref, k):
        return lax.dot_general(x.astype(jnp.bfloat16), w_ref[k],
                               (((1,), (1,)), ((), ())),
                               preferred_element_type=jnp.float32)

    def body(group_ref, user_ref, item_ref, att_ref, a_ref, b_ref,
             rgi_ref, rgu_ref, wu_ref, bu_ref, wi_ref, bi_ref,
             wg_ref, bg_ref, nu_ref, ni_ref, ng_ref,
             f_acc, h_acc, k_acc):
        bidx = pl.program_id(0)

        @pl.when(bidx == 0)
        def _():
            f_acc[...] = jnp.zeros_like(f_acc)
            h_acc[...] = jnp.zeros_like(h_acc)
            k_acc[...] = jnp.zeros_like(k_acc)

        grp = group_ref[...]
        ub = user_ref[...]
        ib = item_ref[...]
        ab = att_ref[...] * item_ref[...]
        rgib = rgi_ref[...].astype(jnp.bfloat16)
        rgub = rgu_ref[...].astype(jnp.bfloat16)
        grph = grp.astype(jnp.bfloat16)

        cc = lax.dot_general(rgub, grph, (((0,), (0,)), ((), ())),
                             preferred_element_type=jnp.float32)
        ee = lax.dot_general(rgib, grph, (((0,), (0,)), ((), ())),
                             preferred_element_type=jnp.float32)
        f_acc[...] += jnp.dot(rgib, ib.astype(jnp.bfloat16),
                              preferred_element_type=jnp.float32)
        h_acc[...] += jnp.dot(rgub, ub.astype(jnp.bfloat16),
                              preferred_element_type=jnp.float32)
        k_acc[...] += jnp.dot(rgib, ab.astype(jnp.bfloat16),
                              preferred_element_type=jnp.float32)

        aa = a_ref[...]
        bb = b_ref[...]
        nu = (lin(ub, wu_ref, 0) + lin(aa, wu_ref, 1)
              + lin(aa * ub, wu_ref, 2) + lin(cc * ub, wu_ref, 3)
              + lin(cc, wu_ref, 4)
              + jnp.sum(bu_ref[...], axis=0, keepdims=True))
        ni = (lin(ib, wi_ref, 0) + lin(bb, wi_ref, 1)
              + lin(bb * ib, wi_ref, 2) + lin(ee * ib, wi_ref, 3)
              + lin(ee, wi_ref, 4)
              + jnp.sum(bi_ref[...], axis=0, keepdims=True))
        nu_ref[...] = _leaky_l2norm(nu)
        ni_ref[...] = _leaky_l2norm(ni)

        @pl.when(bidx == pl.num_programs(0) - 1)
        def _():
            ff = f_acc[...]
            hh = h_acc[...]
            kk = k_acc[...]
            ng = (lin(grp, wg_ref, 0) + lin(ff, wg_ref, 1)
                  + lin(hh * grp, wg_ref, 2) + lin(ff * grp, wg_ref, 3)
                  + lin(kk, wg_ref, 4)
                  + jnp.sum(bg_ref[...], axis=0, keepdims=True))
            ng_ref[...] = _leaky_l2norm(ng)

    return pl.pallas_call(
        body,
        grid=(nb,),
        in_specs=[
            pl.BlockSpec((g, d), lambda b: (0, 0)),
            pl.BlockSpec((rb, d), lambda b: (b, 0)),
            pl.BlockSpec((rb, d), lambda b: (b, 0)),
            pl.BlockSpec((rb, d), lambda b: (b, 0)),
            pl.BlockSpec((rb, d), lambda b: (b, 0)),
            pl.BlockSpec((rb, d), lambda b: (b, 0)),
            pl.BlockSpec((g, rb), lambda b: (0, b)),
            pl.BlockSpec((g, rb), lambda b: (0, b)),
            pl.BlockSpec((5, d, d), lambda b: (0, 0, 0)),
            pl.BlockSpec((5, d), lambda b: (0, 0)),
            pl.BlockSpec((5, d, d), lambda b: (0, 0, 0)),
            pl.BlockSpec((5, d), lambda b: (0, 0)),
            pl.BlockSpec((5, d, d), lambda b: (0, 0, 0)),
            pl.BlockSpec((5, d), lambda b: (0, 0)),
        ],
        out_specs=[
            pl.BlockSpec((rb, d), lambda b: (b, 0)),
            pl.BlockSpec((rb, d), lambda b: (b, 0)),
            pl.BlockSpec((g, d), lambda b: (0, 0)),
        ],
        out_shape=[
            jax.ShapeDtypeStruct((u, d), jnp.float32),
            jax.ShapeDtypeStruct((u, d), jnp.float32),
            jax.ShapeDtypeStruct((g, d), jnp.float32),
        ],
        scratch_shapes=[
            pltpu.VMEM((g, d), jnp.float32),
            pltpu.VMEM((g, d), jnp.float32),
            pltpu.VMEM((g, d), jnp.float32),
        ],
    )(group_emb, user_emb, item_emb, att_item, a_mat, b_mat,
      norm_rgi, norm_rgu, Wu, bu, Wi, bi, Wg, bg)


def kernel(group_embedding, user_embedding, item_embedding, gu_members,
           norm_rgi, norm_rgu, norm_rui, Wu, bu, Wi, bi, Wg, bg):
    idx = gu_members.reshape(-1).astype(jnp.int32)
    mem_flat = _sc_gather_rows(user_embedding, idx)
    item_h = item_embedding.astype(jnp.bfloat16)
    user_h = user_embedding.astype(jnp.bfloat16)
    mem_h = mem_flat.astype(jnp.bfloat16)
    a_mat, b_mat, att = _rui_attention(norm_rui, item_h, user_h,
                                       mem_h.T, mem_h)
    nu, ni, ng = _finalize(group_embedding, user_embedding, item_embedding,
                           att, a_mat, b_mat, norm_rgi, norm_rgu,
                           Wu.astype(jnp.bfloat16), bu,
                           Wi.astype(jnp.bfloat16), bi,
                           Wg.astype(jnp.bfloat16), bg)
    return ng, nu, ni

# --- scband reference (transcript-rebuilt; emitter-appended) ---
"""Pipeline reference for scband-gnnlayer-20091857010801 (READ-ONLY COPY).

The authoritative reference and input builder live on the scoring server;
editing this copy changes nothing except your own understanding.
"""

import jax, jax.numpy as jnp
import numpy as np

G, U, I, D, M = 256, 4096, 4096, 128, 8


def setup_inputs(seed: int = 0) -> dict:
    key = jax.random.key(seed)
    ks = jax.random.split(key, 16)
    inp = {}
    inp["group_embedding"] = jax.random.normal(ks[0], (G, D), dtype=jnp.float32)
    inp["user_embedding"] = jax.random.normal(ks[1], (U, D), dtype=jnp.float32)
    inp["item_embedding"] = jax.random.normal(ks[2], (I, D), dtype=jnp.float32)
    inp["gu_members"] = jax.random.randint(ks[3], (G, M), 0, U, dtype=jnp.int64 if jax.config.jax_enable_x64 else jnp.int32)
    inp["norm_rgi"] = jax.random.uniform(ks[4], (G, I), dtype=jnp.float32) / I
    inp["norm_rgu"] = jax.random.uniform(ks[5], (G, U), dtype=jnp.float32) / U
    inp["norm_rui"] = jax.random.uniform(ks[6], (U, I), dtype=jnp.float32) / I
    s = 1.0 / np.sqrt(D)
    inp["Wu"] = jax.random.uniform(ks[7], (5, D, D), minval=-s, maxval=s, dtype=jnp.float32)
    inp["bu"] = jax.random.uniform(ks[8], (5, D), minval=-s, maxval=s, dtype=jnp.float32)
    inp["Wi"] = jax.random.uniform(ks[9], (5, D, D), minval=-s, maxval=s, dtype=jnp.float32)
    inp["bi"] = jax.random.uniform(ks[10], (5, D), minval=-s, maxval=s, dtype=jnp.float32)
    inp["Wg"] = jax.random.uniform(ks[11], (5, D, D), minval=-s, maxval=s, dtype=jnp.float32)
    inp["bg"] = jax.random.uniform(ks[12], (5, D), minval=-s, maxval=s, dtype=jnp.float32)
    return inp


def _lin(W, b, x):
    return x @ W.T + b


def _leaky(x):
    return jnp.where(x >= 0, x, 0.01 * x)


def _l2norm(x):
    n = jnp.sqrt(jnp.sum(x * x, axis=1, keepdims=True))
    return x / jnp.maximum(n, 1e-12)


def reference(group_embedding, user_embedding, item_embedding, gu_members, norm_rgi, norm_rgu, norm_rui, Wu, bu, Wi, bi, Wg, bg):
    # user update
    embed_rui_ei = norm_rui @ item_embedding
    embed_rgu_t_eg = norm_rgu.T @ group_embedding
    new_user = (_lin(Wu[0], bu[0], user_embedding)
                + _lin(Wu[1], bu[1], embed_rui_ei)
                + _lin(Wu[2], bu[2], embed_rui_ei * user_embedding)
                + _lin(Wu[3], bu[3], embed_rgu_t_eg * user_embedding)
                + _lin(Wu[4], bu[4], embed_rgu_t_eg))
    # per-group member attention over items, summed over groups
    mem = user_embedding[gu_members]                       # [G, M, D] gather
    e = jnp.einsum('id,gmd->gim', item_embedding, mem)     # [G, I, M]
    w = jax.nn.softmax(e, axis=1)                          # softmax over items (dim 0 in torch)
    all_attention = jnp.einsum('gim,gmd->id', w, mem)      # sum over groups -> [I, D]
    attentive_item = all_attention * item_embedding
    # item update
    embed_rgi_t_eg = norm_rgi.T @ group_embedding
    embed_rui_t_eu = norm_rui.T @ user_embedding
    new_item = (_lin(Wi[0], bi[0], item_embedding)
                + _lin(Wi[1], bi[1], embed_rui_t_eu)
                + _lin(Wi[2], bi[2], embed_rui_t_eu * item_embedding)
                + _lin(Wi[3], bi[3], embed_rgi_t_eg * item_embedding)
                + _lin(Wi[4], bi[4], embed_rgi_t_eg))
    # group update
    embed_rgi_ei = norm_rgi @ item_embedding
    embed_rgu_eu = norm_rgu @ user_embedding
    embed_atten_item = norm_rgi @ attentive_item
    new_group = (_lin(Wg[0], bg[0], group_embedding)
                 + _lin(Wg[1], bg[1], embed_rgi_ei)
                 + _lin(Wg[2], bg[2], embed_rgu_eu * group_embedding)
                 + _lin(Wg[3], bg[3], embed_rgi_ei * group_embedding)
                 + _lin(Wg[4], bg[4], embed_atten_item))
    new_group = _leaky(new_group)
    new_user = _leaky(new_user)
    new_item = _leaky(new_item)
    # dropout: eval mode (identity)
    return (_l2norm(new_group), _l2norm(new_user), _l2norm(new_item))

if __name__ == "__main__":
    import jax
    _d = setup_inputs()
    print(jax.jit(kernel)(*tuple(_d.values())))

</pallas_src>

<mosaic_0001>
#map = affine_map<(d0, d1) -> (0, 0)>
#map1 = affine_map<(d0, d1) -> (0)>
module attributes {stable_mosaic.version = 14 : i64} {
  func.func @gather_kernel(%arg0: i32, %arg1: i32, %arg2: memref<4096x128xf32, #tpu.memory_space<hbm>>, %arg3: memref<2048xi32, #tpu.memory_space<hbm>>, %arg4: memref<2048x128xf32, #tpu.memory_space<hbm>>, %arg5: memref<64xi32, #tpu.memory_space<vmem>>, %arg6: memref<64x128xf32, #tpu.memory_space<vmem>>, %arg7: memref<!tpu.dma_semaphore, #tpu.memory_space<semaphore_mem>>) attributes {dimension_semantics = [#tpu.dimension_semantics<core_parallel>, #tpu.dimension_semantics<subcore_parallel>], iteration_bounds = array<i64: 2, 16>, scalar_prefetch = 0 : i64, scratch_operands = 3 : i64, tpu.core_type = #tpu.core_type<sc_vector_subcore>, window_params = [{transform_indices = #map}, {transform_indices = #map1}, {transform_indices = #map}]} {
    %mul3A = arith.constant 2 : i32
    %mul3A_0 = arith.muli %arg1, %mul3A : i32
    %add3A = arith.addi %mul3A_0, %arg0 : i32
    %mul3A_1 = arith.constant 64 : i32
    %mul3A_2 = arith.muli %add3A, %mul3A_1 : i32
    "tpu.region"() ({
      %run_scoped3A = tpu.sem_alloc : memref<!tpu.dma_semaphore, #tpu.memory_space<semaphore_mem>>
      %dma_start3A_7 = tpu.memref_slice %arg3[%mul3A_2] : memref<2048xi32, #tpu.memory_space<hbm>> -> memref<64xi32, #tpu.memory_space<hbm>>
      %dma_start3A_8 = tpu.memref_slice %arg3[%mul3A_2] : memref<2048xi32, #tpu.memory_space<hbm>> -> memref<64xi32, #tpu.memory_space<hbm>>
      tpu.enqueue_dma source(%dma_start3A_8 : memref<64xi32, #tpu.memory_space<hbm>>) target(%arg5 : memref<64xi32, #tpu.memory_space<vmem>>) target_semaphore(%run_scoped3A : memref<!tpu.dma_semaphore, #tpu.memory_space<semaphore_mem>>)
      %dma_wait3A_9 = tpu.memref_slice %arg3[%mul3A_2] : memref<2048xi32, #tpu.memory_space<hbm>> -> memref<64xi32, #tpu.memory_space<hbm>>
      %dma_wait3A_10 = tpu.memref_slice %arg3[%mul3A_2] : memref<2048xi32, #tpu.memory_space<hbm>> -> memref<64xi32, #tpu.memory_space<hbm>>
      tpu.wait_dma2 semaphore(%run_scoped3A : memref<!tpu.dma_semaphore, #tpu.memory_space<semaphore_mem>>) src(%dma_wait3A_10 : memref<64xi32, #tpu.memory_space<hbm>>) dst(%arg5 : memref<64xi32, #tpu.memory_space<vmem>>)
      tpu.yield
    }) : () -> ()
    %dma_start3A = arith.constant 0 : i32
    %dma_start3A_3 = arith.constant 0 : i32
    %dma_start3A_4 = tpu.memref_slice %arg2[%dma_start3A, %dma_start3A_3] : memref<4096x128xf32, #tpu.memory_space<hbm>> -> memref<4096x128xf32, #tpu.memory_space<hbm>>
    tpu.enqueue_indirect_dma source(%dma_start3A_4 : memref<4096x128xf32, #tpu.memory_space<hbm>>) target(%arg6 : memref<64x128xf32, #tpu.memory_space<vmem>>) offsets(%arg5 : memref<64xi32, #tpu.memory_space<vmem>>) semaphore(%arg7 : memref<!tpu.dma_semaphore, #tpu.memory_space<semaphore_mem>>)
    %dma_wait3A = arith.constant 0 : i32
    %dma_wait3A_5 = arith.constant 0 : i32
    %dma_wait3A_6 = tpu.memref_slice %arg2[%dma_wait3A, %dma_wait3A_5] : memref<4096x128xf32, #tpu.memory_space<hbm>> -> memref<4096x128xf32, #tpu.memory_space<hbm>>
    tpu.wait_indirect_dma semaphore(%arg7 : memref<!tpu.dma_semaphore, #tpu.memory_space<semaphore_mem>>) src(%dma_wait3A_6 : memref<4096x128xf32, #tpu.memory_space<hbm>>) dst(%arg6 : memref<64x128xf32, #tpu.memory_space<vmem>>)
    "tpu.region"() ({
      %run_scoped3A = tpu.sem_alloc : memref<!tpu.dma_semaphore, #tpu.memory_space<semaphore_mem>>
      %dma_start3A_7 = arith.constant 0 : i32
      %dma_start3A_8 = tpu.memref_slice %arg4[%mul3A_2, %dma_start3A_7] : memref<2048x128xf32, #tpu.memory_space<hbm>> -> memref<64x128xf32, #tpu.memory_space<hbm>>
      %dma_start3A_9 = arith.constant 0 : i32
      %dma_start3A_10 = tpu.memref_slice %arg4[%mul3A_2, %dma_start3A_9] : memref<2048x128xf32, #tpu.memory_space<hbm>> -> memref<64x128xf32, #tpu.memory_space<hbm>>
      tpu.enqueue_dma source(%arg6 : memref<64x128xf32, #tpu.memory_space<vmem>>) target(%dma_start3A_10 : memref<64x128xf32, #tpu.memory_space<hbm>>) target_semaphore(%run_scoped3A : memref<!tpu.dma_semaphore, #tpu.memory_space<semaphore_mem>>)
      %dma_wait3A_11 = arith.constant 0 : i32
      %dma_wait3A_12 = tpu.memref_slice %arg4[%mul3A_2, %dma_wait3A_11] : memref<2048x128xf32, #tpu.memory_space<hbm>> -> memref<64x128xf32, #tpu.memory_space<hbm>>
      %dma_wait3A_13 = arith.constant 0 : i32
      %dma_wait3A_14 = tpu.memref_slice %arg4[%mul3A_2, %dma_wait3A_13] : memref<2048x128xf32, #tpu.memory_space<hbm>> -> memref<64x128xf32, #tpu.memory_space<hbm>>
      tpu.wait_dma2 semaphore(%run_scoped3A : memref<!tpu.dma_semaphore, #tpu.memory_space<semaphore_mem>>) src(%arg6 : memref<64x128xf32, #tpu.memory_space<vmem>>) dst(%dma_wait3A_14 : memref<64x128xf32, #tpu.memory_space<hbm>>)
      tpu.yield
    }) : () -> ()
    return
  }
}

module attributes {stable_mosaic.version = 14 : i64} {
  func.func @body(%arg0: i32, %arg1: memref<1024x4096xf32, #tpu.memory_space<vmem>>, %arg2: memref<4096x128xbf16, #tpu.memory_space<vmem>>, %arg3: memref<4096x128xbf16, #tpu.memory_space<vmem>>, %arg4: memref<128x512xbf16, #tpu.memory_space<vmem>>, %arg5: memref<512x128xbf16, #tpu.memory_space<vmem>>, %arg6: memref<4096x128xf32, #tpu.memory_space<vmem>>, %arg7: memref<4096x128xf32, #tpu.memory_space<vmem>>, %arg8: memref<4096x128xf32, #tpu.memory_space<vmem>>) attributes {dimension_semantics = [#tpu.dimension_semantics<arbitrary>], iteration_bounds = array<i64: 4>, scalar_prefetch = 0 : i64, scratch_operands = 0 : i64, tpu.core_type = #tpu.core_type<tc>, window_params = [{transform_indices = @transform_0, window_bounds = array<i64: 1024, 4096>}, {pipeline_mode = #tpu.pipeline_mode<synchronous>, transform_indices = @transform_1, window_bounds = array<i64: 4096, 128>}, {pipeline_mode = #tpu.pipeline_mode<synchronous>, transform_indices = @transform_2, window_bounds = array<i64: 4096, 128>}, {transform_indices = @transform_3, window_bounds = array<i64: 128, 512>}, {transform_indices = @transform_4, window_bounds = array<i64: 512, 128>}, {pipeline_mode = #tpu.pipeline_mode<synchronous>, transform_indices = @transform_5, window_bounds = array<i64: 4096, 128>}, {pipeline_mode = #tpu.pipeline_mode<synchronous>, transform_indices = @transform_6, window_bounds = array<i64: 4096, 128>}, {pipeline_mode = #tpu.pipeline_mode<synchronous>, transform_indices = @transform_7, window_bounds = array<i64: 4096, 128>}]} {
    %eq3A = arith.constant 0 : i32
    %eq3A_0 = arith.cmpi eq, %arg0, %eq3A : i32
    %convert_element_type3A = arith.extui %eq3A_0 : i1 to i32
    %cond3A = arith.constant 0 : i32
    %cond3A_1 = arith.cmpi ne, %convert_element_type3A, %cond3A : i32
    scf.if %cond3A_1 {
      %broadcast_in_dim3A_55 = arith.constant 0.000000e+00 : f32
      %broadcast_in_dim3A_56 = vector.broadcast %broadcast_in_dim3A_55 : f32 to vector<4096x128xf32>
      %swap3A_57 = arith.constant 0 : index
      %swap3A_58 = arith.constant 0 : index
      %swap3A_59 = vector.load %arg7[%swap3A_57, %swap3A_58] : memref<4096x128xf32, #tpu.memory_space<vmem>>, vector<4096x128xf32>
      tpu.vector_store %arg7[%swap3A_57, %swap3A_58], %broadcast_in_dim3A_56 {strides = array<i32>} : memref<4096x128xf32, #tpu.memory_space<vmem>>, vector<4096x128xf32>,
      %broadcast_in_dim3A_60 = arith.constant 0.000000e+00 : f32
      %broadcast_in_dim3A_61 = vector.broadcast %broadcast_in_dim3A_60 : f32 to vector<4096x128xf32>
      %swap3A_62 = arith.constant 0 : index
      %swap3A_63 = arith.constant 0 : index
      %swap3A_64 = vector.load %arg8[%swap3A_62, %swap3A_63] : memref<4096x128xf32, #tpu.memory_space<vmem>>, vector<4096x128xf32>
      tpu.vector_store %arg8[%swap3A_62, %swap3A_63], %broadcast_in_dim3A_61 {strides = array<i32>} : memref<4096x128xf32, #tpu.memory_space<vmem>>, vector<4096x128xf32>,
    } else {
    }
    %get3A = arith.constant 0 : index
    %get3A_2 = arith.constant 0 : index
    %get3A_3 = vector.load %arg1[%get3A, %get3A_2] : memref<1024x4096xf32, #tpu.memory_space<vmem>>, vector<1024x4096xf32>
    %convert_element_type3A_4 = arith.truncf %get3A_3 : vector<1024x4096xf32> to vector<1024x4096xbf16>
    %get3A_5 = arith.constant 0 : index
    %get3A_6 = arith.constant 0 : index
    %get3A_7 = vector.load %arg2[%get3A_5, %get3A_6] : memref<4096x128xbf16, #tpu.memory_space<vmem>>, vector<4096x128xbf16>
    %dot_general3A = arith.constant dense<0.000000e+00> : vector<1024x128xf32>
    %dot_general3A_8 = tpu.matmul %convert_element_type3A_4, %get3A_7, %dot_general3A {dimension_numbers = #tpu.dot_dimension_numbers<[1], [0], [0], [1], [0, 0, 1, 1], [], []>, transpose_lhs_hint = false} : vector<1024x4096xbf16>, vector<4096x128xbf16>, vector<1024x128xf32> -> vector<1024x128xf32>
    %mul3A = arith.constant 1024 : i32
    %mul3A_9 = arith.muli %arg0, %mul3A : i32
    %swap3A = arith.index_cast %mul3A_9 : i32 to index
    %swap3A_10 = arith.constant 0 : index
    %swap3A_11 = vector.load %arg6[%swap3A, %swap3A_10] : memref<4096x128xf32, #tpu.memory_space<vmem>>, vector<1024x128xf32>
    tpu.vector_store %arg6[%swap3A, %swap3A_10], %dot_general3A_8 {strides = array<i32>} : memref<4096x128xf32, #tpu.memory_space<vmem>>, vector<1024x128xf32>,
    %get3A_12 = arith.constant 0 : index
    %get3A_13 = arith.constant 0 : index
    %get3A_14 = vector.load %arg7[%get3A_12, %get3A_13] : memref<4096x128xf32, #tpu.memory_space<vmem>>, vector<4096x128xf32>
    %mul3A_15 = arith.constant 1024 : i32
    %mul3A_16 = arith.muli %arg0, %mul3A_15 : i32
    %get3A_17 = arith.index_cast %mul3A_16 : i32 to index
    %get3A_18 = arith.constant 0 : index
    %get3A_19 = vector.load %arg3[%get3A_17, %get3A_18] : memref<4096x128xbf16, #tpu.memory_space<vmem>>, vector<1024x128xbf16>
    %dot_general3A_20 = arith.constant dense<0.000000e+00> : vector<4096x128xf32>
    %dot_general3A_21 = tpu.matmul %convert_element_type3A_4, %get3A_19, %dot_general3A_20 {dimension_numbers = #tpu.dot_dimension_numbers<[0], [0], [1], [1], [0, 1, 1, 1], [], []>, transpose_lhs_hint = false} : vector<1024x4096xbf16>, vector<1024x128xbf16>, vector<4096x128xf32> -> vector<4096x128xf32>
    %add3A = arith.addf %get3A_14, %dot_general3A_21 : vector<4096x128xf32>
    %swap3A_22 = arith.constant 0 : index
    %swap3A_23 = arith.constant 0 : index
    %swap3A_24 = vector.load %arg7[%swap3A_22, %swap3A_23] : memref<4096x128xf32, #tpu.memory_space<vmem>>, vector<4096x128xf32>
    tpu.vector_store %arg7[%swap3A_22, %swap3A_23], %add3A {strides = array<i32>} : memref<4096x128xf32, #tpu.memory_space<vmem>>, vector<4096x128xf32>,
    %get3A_25 = arith.constant 0 : index
    %get3A_26 = arith.constant 0 : index
    %get3A_27 = vector.load %arg2[%get3A_25, %get3A_26] : memref<4096x128xbf16, #tpu.memory_space<vmem>>, vector<4096x128xbf16>
    %get3A_28 = arith.constant 0 : index
    %get3A_29 = arith.constant 0 : index
    %get3A_30 = vector.load %arg4[%get3A_28, %get3A_29] : memref<128x512xbf16, #tpu.memory_space<vmem>>, vector<128x512xbf16>
    %dot_general3A_31 = arith.constant dense<0.000000e+00> : vector<4096x512xf32>
    %dot_general3A_32 = tpu.matmul %get3A_27, %get3A_30, %dot_general3A_31 {dimension_numbers = #tpu.dot_dimension_numbers<[1], [0], [0], [1], [0, 0, 1, 1], [], []>, transpose_lhs_hint = false} : vector<4096x128xbf16>, vector<128x512xbf16>, vector<4096x512xf32> -> vector<4096x512xf32>
    %reduce_max3A = arith.constant dense<0xFF800000> : vector<512xf32>
    %reduce_max3A_33 = vector.multi_reduction <maximumf>, %dot_general3A_32, %reduce_max3A [0] : vector<4096x512xf32> to vector<512xf32>
    %broadcast_in_dim3A = vector.shape_cast %reduce_max3A_33 : vector<512xf32> to vector<1x512xf32>
    %sub3A = vector.broadcast %broadcast_in_dim3A : vector<1x512xf32> to vector<4096x512xf32>
    %sub3A_34 = arith.subf %dot_general3A_32, %sub3A : vector<4096x512xf32>
    %exp3A = math.exp %sub3A_34 : vector<4096x512xf32>
    %reduce_sum3A = arith.constant dense<0.000000e+00> : vector<512xf32>
    %reduce_sum3A_35 = vector.multi_reduction <add>, %exp3A, %reduce_sum3A [0] : vector<4096x512xf32> to vector<512xf32>
    %broadcast_in_dim3A_36 = vector.shape_cast %reduce_sum3A_35 : vector<512xf32> to vector<1x512xf32>
    %div3A = arith.constant 1.000000e+00 : f32
    %div3A_37 = vector.broadcast %div3A : f32 to vector<1x512xf32>
    %div3A_38 = arith.divf %div3A_37, %broadcast_in_dim3A_36 : vector<1x512xf32>
    %convert_element_type3A_39 = arith.truncf %div3A_38 : vector<1x512xf32> to vector<1x512xbf16>
    %convert_element_type3A_40 = arith.truncf %exp3A : vector<4096x512xf32> to vector<4096x512xbf16>
    %mul3A_41 = vector.broadcast %convert_element_type3A_39 : vector<1x512xbf16> to vector<4096x512xbf16>
    %mul3A_42 = arith.mulf %convert_element_type3A_40, %mul3A_41 : vector<4096x512xbf16>
    %get3A_43 = arith.constant 0 : index
    %get3A_44 = arith.constant 0 : index
    %get3A_45 = vector.load %arg8[%get3A_43, %get3A_44] : memref<4096x128xf32, #tpu.memory_space<vmem>>, vector<4096x128xf32>
    %get3A_46 = arith.constant 0 : index
    %get3A_47 = arith.constant 0 : index
    %get3A_48 = vector.load %arg5[%get3A_46, %get3A_47] : memref<512x128xbf16, #tpu.memory_space<vmem>>, vector<512x128xbf16>
    %dot_general3A_49 = arith.constant dense<0.000000e+00> : vector<4096x128xf32>
    %dot_general3A_50 = tpu.matmul %mul3A_42, %get3A_48, %dot_general3A_49 {dimension_numbers = #tpu.dot_dimension_numbers<[1], [0], [0], [1], [0, 0, 1, 1], [], []>, transpose_lhs_hint = false} : vector<4096x512xbf16>, vector<512x128xbf16>, vector<4096x128xf32> -> vector<4096x128xf32>
    %add3A_51 = arith.addf %get3A_45, %dot_general3A_50 : vector<4096x128xf32>
    %swap3A_52 = arith.constant 0 : index
    %swap3A_53 = arith.constant 0 : index
    %swap3A_54 = vector.load %arg8[%swap3A_52, %swap3A_53] : memref<4096x128xf32, #tpu.memory_space<vmem>>, vector<4096x128xf32>
    tpu.vector_store %arg8[%swap3A_52, %swap3A_53], %add3A_51 {strides = array<i32>} : memref<4096x128xf32, #tpu.memory_space<vmem>>, vector<4096x128xf32>,
    return
  }
  func.func @transform_0(%arg0: i32) -> (i32, i32) {
    %c0_i32 = arith.constant 0 : i32
    %c0_i32_0 = arith.constant 0 : i32
    return %arg0, %c0_i32 : i32, i32
  }
  func.func @transform_1(%arg0: i32) -> (i32, i32) {
    %c0_i32 = arith.constant 0 : i32
    %c0_i32_0 = arith.constant 0 : i32
    %c0_i32_1 = arith.constant 0 : i32
    return %c0_i32, %c0_i32_0 : i32, i32
  }
  func.func @transform_2(%arg0: i32) -> (i32, i32) {
    %c0_i32 = arith.constant 0 : i32
    %c0_i32_0 = arith.constant 0 : i32
    %c0_i32_1 = arith.constant 0 : i32
    return %c0_i32, %c0_i32_0 : i32, i32
  }
  func.func @transform_3(%arg0: i32) -> (i32, i32) {
    %c0_i32 = arith.constant 0 : i32
    %c0_i32_0 = arith.constant 0 : i32
    return %c0_i32, %arg0 : i32, i32
  }
  func.func @transform_4(%arg0: i32) -> (i32, i32) {
    %c0_i32 = arith.constant 0 : i32
    %c0_i32_0 = arith.constant 0 : i32
    return %arg0, %c0_i32 : i32, i32
  }
  func.func @transform_5(%arg0: i32) -> (i32, i32) {
    %c0_i32 = arith.constant 0 : i32
    %c0_i32_0 = arith.constant 0 : i32
    %c0_i32_1 = arith.constant 0 : i32
    return %c0_i32, %c0_i32_0 : i32, i32
  }
  func.func @transform_6(%arg0: i32) -> (i32, i32) {
    %c0_i32 = arith.constant 0 : i32
    %c0_i32_0 = arith.constant 0 : i32
    %c0_i32_1 = arith.constant 0 : i32
    return %c0_i32, %c0_i32_0 : i32, i32
  }
  func.func @transform_7(%arg0: i32) -> (i32, i32) {
    %c0_i32 = arith.constant 0 : i32
    %c0_i32_0 = arith.constant 0 : i32
    %c0_i32_1 = arith.constant 0 : i32
    return %c0_i32, %c0_i32_0 : i32, i32
  }
}

module attributes {stable_mosaic.version = 14 : i64} {
  func.func @body(%arg0: i32, %arg1: memref<256x128xf32, #tpu.memory_space<vmem>>, %arg2: memref<512x128xf32, #tpu.memory_space<vmem>>, %arg3: memref<512x128xf32, #tpu.memory_space<vmem>>, %arg4: memref<512x128xf32, #tpu.memory_space<vmem>>, %arg5: memref<512x128xf32, #tpu.memory_space<vmem>>, %arg6: memref<512x128xf32, #tpu.memory_space<vmem>>, %arg7: memref<256x512xf32, #tpu.memory_space<vmem>>, %arg8: memref<256x512xf32, #tpu.memory_space<vmem>>, %arg9: memref<5x128x128xbf16, #tpu.memory_space<vmem>>, %arg10: memref<5x128xf32, #tpu.memory_space<vmem>>, %arg11: memref<5x128x128xbf16, #tpu.memory_space<vmem>>, %arg12: memref<5x128xf32, #tpu.memory_space<vmem>>, %arg13: memref<5x128x128xbf16, #tpu.memory_space<vmem>>, %arg14: memref<5x128xf32, #tpu.memory_space<vmem>>, %arg15: memref<512x128xf32, #tpu.memory_space<vmem>>, %arg16: memref<512x128xf32, #tpu.memory_space<vmem>>, %arg17: memref<256x128xf32, #tpu.memory_space<vmem>>, %arg18: memref<256x128xf32, #tpu.memory_space<vmem>>, %arg19: memref<256x128xf32, #tpu.memory_space<vmem>>, %arg20: memref<256x128xf32, #tpu.memory_space<vmem>>) attributes {dimension_semantics = [#tpu.dimension_semantics<arbitrary>], iteration_bounds = array<i64: 8>, scalar_prefetch = 0 : i64, scratch_operands = 3 : i64, tpu.core_type = #tpu.core_type<tc>, window_params = [{pipeline_mode = #tpu.pipeline_mode<synchronous>, transform_indices = @transform_0, window_bounds = array<i64: 256, 128>}, {transform_indices = @transform_1, window_bounds = array<i64: 512, 128>}, {transform_indices = @transform_2, window_bounds = array<i64: 512, 128>}, {transform_indices = @transform_3, window_bounds = array<i64: 512, 128>}, {transform_indices = @transform_4, window_bounds = array<i64: 512, 128>}, {transform_indices = @transform_5, window_bounds = array<i64: 512, 128>}, {transform_indices = @transform_6, window_bounds = array<i64: 256, 512>}, {transform_indices = @transform_7, window_bounds = array<i64: 256, 512>}, {pipeline_mode = #tpu.pipeline_mode<synchronous>, transform_indices = @transform_8, window_bounds = array<i64: 5, 128, 128>}, {pipeline_mode = #tpu.pipeline_mode<synchronous>, transform_indices = @transform_9, window_bounds = array<i64: 5, 128>}, {pipeline_mode = #tpu.pipeline_mode<synchronous>, transform_indices = @transform_10, window_bounds = array<i64: 5, 128, 128>}, {pipeline_mode = #tpu.pipeline_mode<synchronous>, transform_indices = @transform_11, window_bounds = array<i64: 5, 128>}, {pipeline_mode = #tpu.pipeline_mode<synchronous>, transform_indices = @transform_12, window_bounds = array<i64: 5, 128, 128>}, {pipeline_mode = #tpu.pipeline_mode<synchronous>, transform_indices = @transform_13, window_bounds = array<i64: 5, 128>}, {transform_indices = @transform_14, window_bounds = array<i64: 512, 128>}, {transform_indices = @transform_15, window_bounds = array<i64: 512, 128>}, {pipeline_mode = #tpu.pipeline_mode<synchronous>, transform_indices = @transform_16, window_bounds = array<i64: 256, 128>}]} {
    %eq3A = arith.constant 0 : i32
    %eq3A_0 = arith.cmpi eq, %arg0, %eq3A : i32
    %convert_element_type3A = arith.extui %eq3A_0 : i1 to i32
    %cond3A = arith.constant 0 : i32
    %cond3A_1 = arith.cmpi ne, %convert_element_type3A, %cond3A : i32
    scf.if %cond3A_1 {
      %broadcast_in_dim3A_208 = arith.constant 0.000000e+00 : f32
      %broadcast_in_dim3A_209 = vector.broadcast %broadcast_in_dim3A_208 : f32 to vector<256x128xf32>
      %swap3A_210 = arith.constant 0 : index
      %swap3A_211 = arith.constant 0 : index
      %swap3A_212 = vector.load %arg18[%swap3A_210, %swap3A_211] : memref<256x128xf32, #tpu.memory_space<vmem>>, vector<256x128xf32>
      tpu.vector_store %arg18[%swap3A_210, %swap3A_211], %broadcast_in_dim3A_209 {strides = array<i32>} : memref<256x128xf32, #tpu.memory_space<vmem>>, vector<256x128xf32>,
      %broadcast_in_dim3A_213 = arith.constant 0.000000e+00 : f32
      %broadcast_in_dim3A_214 = vector.broadcast %broadcast_in_dim3A_213 : f32 to vector<256x128xf32>
      %swap3A_215 = arith.constant 0 : index
      %swap3A_216 = arith.constant 0 : index
      %swap3A_217 = vector.load %arg19[%swap3A_215, %swap3A_216] : memref<256x128xf32, #tpu.memory_space<vmem>>, vector<256x128xf32>
      tpu.vector_store %arg19[%swap3A_215, %swap3A_216], %broadcast_in_dim3A_214 {strides = array<i32>} : memref<256x128xf32, #tpu.memory_space<vmem>>, vector<256x128xf32>,
      %broadcast_in_dim3A_218 = arith.constant 0.000000e+00 : f32
      %broadcast_in_dim3A_219 = vector.broadcast %broadcast_in_dim3A_218 : f32 to vector<256x128xf32>
      %swap3A_220 = arith.constant 0 : index
      %swap3A_221 = arith.constant 0 : index
      %swap3A_222 = vector.load %arg20[%swap3A_220, %swap3A_221] : memref<256x128xf32, #tpu.memory_space<vmem>>, vector<256x128xf32>
      tpu.vector_store %arg20[%swap3A_220, %swap3A_221], %broadcast_in_dim3A_219 {strides = array<i32>} : memref<256x128xf32, #tpu.memory_space<vmem>>, vector<256x128xf32>,
    } else {
    }
    %get3A = arith.constant 0 : index
    %get3A_2 = arith.constant 0 : index
    %get3A_3 = vector.load %arg1[%get3A, %get3A_2] : memref<256x128xf32, #tpu.memory_space<vmem>>, vector<256x128xf32>
    %get3A_4 = arith.constant 0 : index
    %get3A_5 = arith.constant 0 : index
    %get3A_6 = vector.load %arg2[%get3A_4, %get3A_5] : memref<512x128xf32, #tpu.memory_space<vmem>>, vector<512x128xf32>
    %get3A_7 = arith.constant 0 : index
    %get3A_8 = arith.constant 0 : index
    %get3A_9 = vector.load %arg3[%get3A_7, %get3A_8] : memref<512x128xf32, #tpu.memory_space<vmem>>, vector<512x128xf32>
    %get3A_10 = arith.constant 0 : index
    %get3A_11 = arith.constant 0 : index
    %get3A_12 = vector.load %arg4[%get3A_10, %get3A_11] : memref<512x128xf32, #tpu.memory_space<vmem>>, vector<512x128xf32>
    %get3A_13 = arith.constant 0 : index
    %get3A_14 = arith.constant 0 : index
    %get3A_15 = vector.load %arg3[%get3A_13, %get3A_14] : memref<512x128xf32, #tpu.memory_space<vmem>>, vector<512x128xf32>
    %mul3A = arith.mulf %get3A_12, %get3A_15 : vector<512x128xf32>
    %get3A_16 = arith.constant 0 : index
    %get3A_17 = arith.constant 0 : index
    %get3A_18 = vector.load %arg7[%get3A_16, %get3A_17] : memref<256x512xf32, #tpu.memory_space<vmem>>, vector<256x512xf32>
    %convert_element_type3A_19 = arith.truncf %get3A_18 : vector<256x512xf32> to vector<256x512xbf16>
    %get3A_20 = arith.constant 0 : index
    %get3A_21 = arith.constant 0 : index
    %get3A_22 = vector.load %arg8[%get3A_20, %get3A_21] : memref<256x512xf32, #tpu.memory_space<vmem>>, vector<256x512xf32>
    %convert_element_type3A_23 = arith.truncf %get3A_22 : vector<256x512xf32> to vector<256x512xbf16>
    %convert_element_type3A_24 = arith.truncf %get3A_3 : vector<256x128xf32> to vector<256x128xbf16>
    %dot_general3A = arith.constant dense<0.000000e+00> : vector<512x128xf32>
    %dot_general3A_25 = tpu.matmul %convert_element_type3A_23, %convert_element_type3A_24, %dot_general3A {dimension_numbers = #tpu.dot_dimension_numbers<[0], [0], [1], [1], [0, 1, 1, 1], [], []>, transpose_lhs_hint = false} : vector<256x512xbf16>, vector<256x128xbf16>, vector<512x128xf32> -> vector<512x128xf32>
    %dot_general3A_26 = arith.constant dense<0.000000e+00> : vector<512x128xf32>
    %dot_general3A_27 = tpu.matmul %convert_element_type3A_19, %convert_element_type3A_24, %dot_general3A_26 {dimension_numbers = #tpu.dot_dimension_numbers<[0], [0], [1], [1], [0, 1, 1, 1], [], []>, transpose_lhs_hint = false} : vector<256x512xbf16>, vector<256x128xbf16>, vector<512x128xf32> -> vector<512x128xf32>
    %get3A_28 = arith.constant 0 : index
    %get3A_29 = arith.constant 0 : index
    %get3A_30 = vector.load %arg18[%get3A_28, %get3A_29] : memref<256x128xf32, #tpu.memory_space<vmem>>, vector<256x128xf32>
    %convert_element_type3A_31 = arith.truncf %get3A_9 : vector<512x128xf32> to vector<512x128xbf16>
    %dot_general3A_32 = arith.constant dense<0.000000e+00> : vector<256x128xf32>
    %dot_general3A_33 = tpu.matmul %convert_element_type3A_19, %convert_element_type3A_31, %dot_general3A_32 {dimension_numbers = #tpu.dot_dimension_numbers<[1], [0], [0], [1], [0, 0, 1, 1], [], []>, transpose_lhs_hint = false} : vector<256x512xbf16>, vector<512x128xbf16>, vector<256x128xf32> -> vector<256x128xf32>
    %add3A = arith.addf %get3A_30, %dot_general3A_33 : vector<256x128xf32>
    %swap3A = arith.constant 0 : index
    %swap3A_34 = arith.constant 0 : index
    %swap3A_35 = vector.load %arg18[%swap3A, %swap3A_34] : memref<256x128xf32, #tpu.memory_space<vmem>>, vector<256x128xf32>
    tpu.vector_store %arg18[%swap3A, %swap3A_34], %add3A {strides = array<i32>} : memref<256x128xf32, #tpu.memory_space<vmem>>, vector<256x128xf32>,
    %get3A_36 = arith.constant 0 : index
    %get3A_37 = arith.constant 0 : index
    %get3A_38 = vector.load %arg19[%get3A_36, %get3A_37] : memref<256x128xf32, #tpu.memory_space<vmem>>, vector<256x128xf32>
    %convert_element_type3A_39 = arith.truncf %get3A_6 : vector<512x128xf32> to vector<512x128xbf16>
    %dot_general3A_40 = arith.constant dense<0.000000e+00> : vector<256x128xf32>
    %dot_general3A_41 = tpu.matmul %convert_element_type3A_23, %convert_element_type3A_39, %dot_general3A_40 {dimension_numbers = #tpu.dot_dimension_numbers<[1], [0], [0], [1], [0, 0, 1, 1], [], []>, transpose_lhs_hint = false} : vector<256x512xbf16>, vector<512x128xbf16>, vector<256x128xf32> -> vector<256x128xf32>
    %add3A_42 = arith.addf %get3A_38, %dot_general3A_41 : vector<256x128xf32>
    %swap3A_43 = arith.constant 0 : index
    %swap3A_44 = arith.constant 0 : index
    %swap3A_45 = vector.load %arg19[%swap3A_43, %swap3A_44] : memref<256x128xf32, #tpu.memory_space<vmem>>, vector<256x128xf32>
    tpu.vector_store %arg19[%swap3A_43, %swap3A_44], %add3A_42 {strides = array<i32>} : memref<256x128xf32, #tpu.memory_space<vmem>>, vector<256x128xf32>,
    %get3A_46 = arith.constant 0 : index
    %get3A_47 = arith.constant 0 : index
    %get3A_48 = vector.load %arg20[%get3A_46, %get3A_47] : memref<256x128xf32, #tpu.memory_space<vmem>>, vector<256x128xf32>
    %convert_element_type3A_49 = arith.truncf %mul3A : vector<512x128xf32> to vector<512x128xbf16>
    %dot_general3A_50 = arith.constant dense<0.000000e+00> : vector<256x128xf32>
    %dot_general3A_51 = tpu.matmul %convert_element_type3A_19, %convert_element_type3A_49, %dot_general3A_50 {dimension_numbers = #tpu.dot_dimension_numbers<[1], [0], [0], [1], [0, 0, 1, 1], [], []>, transpose_lhs_hint = false} : vector<256x512xbf16>, vector<512x128xbf16>, vector<256x128xf32> -> vector<256x128xf32>
    %add3A_52 = arith.addf %get3A_48, %dot_general3A_51 : vector<256x128xf32>
    %swap3A_53 = arith.constant 0 : index
    %swap3A_54 = arith.constant 0 : index
    %swap3A_55 = vector.load %arg20[%swap3A_53, %swap3A_54] : memref<256x128xf32, #tpu.memory_space<vmem>>, vector<256x128xf32>
    tpu.vector_store %arg20[%swap3A_53, %swap3A_54], %add3A_52 {strides = array<i32>} : memref<256x128xf32, #tpu.memory_space<vmem>>, vector<256x128xf32>,
    %get3A_56 = arith.constant 0 : index
    %get3A_57 = arith.constant 0 : index
    %get3A_58 = vector.load %arg5[%get3A_56, %get3A_57] : memref<512x128xf32, #tpu.memory_space<vmem>>, vector<512x128xf32>
    %get3A_59 = arith.constant 0 : index
    %get3A_60 = arith.constant 0 : index
    %get3A_61 = vector.load %arg6[%get3A_59, %get3A_60] : memref<512x128xf32, #tpu.memory_space<vmem>>, vector<512x128xf32>
    %convert_element_type3A_62 = arith.truncf %get3A_6 : vector<512x128xf32> to vector<512x128xbf16>
    %get3A_63 = arith.constant 0 : index
    %get3A_64 = arith.constant 0 : index
    %get3A_65 = arith.constant 0 : index
    %get3A_66 = vector.load %arg9[%get3A_63, %get3A_64, %get3A_65] : memref<5x128x128xbf16, #tpu.memory_space<vmem>>, vector<1x128x128xbf16>
    %get3A_67 = vector.shape_cast %get3A_66 : vector<1x128x128xbf16> to vector<128x128xbf16>
    %dot_general3A_68 = arith.constant dense<0.000000e+00> : vector<512x128xf32>
    %dot_general3A_69 = tpu.matmul %convert_element_type3A_62, %get3A_67, %dot_general3A_68 {dimension_numbers = #tpu.dot_dimension_numbers<[1], [1], [0], [0], [0, 0, 1, 0], [], []>, transpose_lhs_hint = false} : vector<512x128xbf16>, vector<128x128xbf16>, vector<512x128xf32> -> vector<512x128xf32>
    %convert_element_type3A_70 = arith.truncf %get3A_58 : vector<512x128xf32> to vector<512x128xbf16>
    %get3A_71 = arith.constant 1 : index
    %get3A_72 = arith.constant 0 : index
    %get3A_73 = arith.constant 0 : index
    %get3A_74 = vector.load %arg9[%get3A_71, %get3A_72, %get3A_73] : memref<5x128x128xbf16, #tpu.memory_space<vmem>>, vector<1x128x128xbf16>
    %get3A_75 = vector.shape_cast %get3A_74 : vector<1x128x128xbf16> to vector<128x128xbf16>
    %dot_general3A_76 = arith.constant dense<0.000000e+00> : vector<512x128xf32>
    %dot_general3A_77 = tpu.matmul %convert_element_type3A_70, %get3A_75, %dot_general3A_76 {dimension_numbers = #tpu.dot_dimension_numbers<[1], [1], [0], [0], [0, 0, 1, 0], [], []>, transpose_lhs_hint = false} : vector<512x128xbf16>, vector<128x128xbf16>, vector<512x128xf32> -> vector<512x128xf32>
    %add3A_78 = arith.addf %dot_general3A_69, %dot_general3A_77 : vector<512x128xf32>
    %mul3A_79 = arith.mulf %get3A_58, %get3A_6 : vector<512x128xf32>
    %convert_element_type3A_80 = arith.truncf %mul3A_79 : vector<512x128xf32> to vector<512x128xbf16>
    %get3A_81 = arith.constant 2 : index
    %get3A_82 = arith.constant 0 : index
    %get3A_83 = arith.constant 0 : index
    %get3A_84 = vector.load %arg9[%get3A_81, %get3A_82, %get3A_83] : memref<5x128x128xbf16, #tpu.memory_space<vmem>>, vector<1x128x128xbf16>
    %get3A_85 = vector.shape_cast %get3A_84 : vector<1x128x128xbf16> to vector<128x128xbf16>
    %dot_general3A_86 = arith.constant dense<0.000000e+00> : vector<512x128xf32>
    %dot_general3A_87 = tpu.matmul %convert_element_type3A_80, %get3A_85, %dot_general3A_86 {dimension_numbers = #tpu.dot_dimension_numbers<[1], [1], [0], [0], [0, 0, 1, 0], [], []>, transpose_lhs_hint = false} : vector<512x128xbf16>, vector<128x128xbf16>, vector<512x128xf32> -> vector<512x128xf32>
    %add3A_88 = arith.addf %add3A_78, %dot_general3A_87 : vector<512x128xf32>
    %mul3A_89 = arith.mulf %dot_general3A_25, %get3A_6 : vector<512x128xf32>
    %convert_element_type3A_90 = arith.truncf %mul3A_89 : vector<512x128xf32> to vector<512x128xbf16>
    %get3A_91 = arith.constant 3 : index
    %get3A_92 = arith.constant 0 : index
    %get3A_93 = arith.constant 0 : index
    %get3A_94 = vector.load %arg9[%get3A_91, %get3A_92, %get3A_93] : memref<5x128x128xbf16, #tpu.memory_space<vmem>>, vector<1x128x128xbf16>
    %get3A_95 = vector.shape_cast %get3A_94 : vector<1x128x128xbf16> to vector<128x128xbf16>
    %dot_general3A_96 = arith.constant dense<0.000000e+00> : vector<512x128xf32>
    %dot_general3A_97 = tpu.matmul %convert_element_type3A_90, %get3A_95, %dot_general3A_96 {dimension_numbers = #tpu.dot_dimension_numbers<[1], [1], [0], [0], [0, 0, 1, 0], [], []>, transpose_lhs_hint = false} : vector<512x128xbf16>, vector<128x128xbf16>, vector<512x128xf32> -> vector<512x128xf32>
    %add3A_98 = arith.addf %add3A_88, %dot_general3A_97 : vector<512x128xf32>
    %convert_element_type3A_99 = arith.truncf %dot_general3A_25 : vector<512x128xf32> to vector<512x128xbf16>
    %get3A_100 = arith.constant 4 : index
    %get3A_101 = arith.constant 0 : index
    %get3A_102 = arith.constant 0 : index
    %get3A_103 = vector.load %arg9[%get3A_100, %get3A_101, %get3A_102] : memref<5x128x128xbf16, #tpu.memory_space<vmem>>, vector<1x128x128xbf16>
    %get3A_104 = vector.shape_cast %get3A_103 : vector<1x128x128xbf16> to vector<128x128xbf16>
    %dot_general3A_105 = arith.constant dense<0.000000e+00> : vector<512x128xf32>
    %dot_general3A_106 = tpu.matmul %convert_element_type3A_99, %get3A_104, %dot_general3A_105 {dimension_numbers = #tpu.dot_dimension_numbers<[1], [1], [0], [0], [0, 0, 1, 0], [], []>, transpose_lhs_hint = false} : vector<512x128xbf16>, vector<128x128xbf16>, vector<512x128xf32> -> vector<512x128xf32>
    %add3A_107 = arith.addf %add3A_98, %dot_general3A_106 : vector<512x128xf32>
    %get3A_108 = arith.constant 0 : index
    %get3A_109 = arith.constant 0 : index
    %get3A_110 = vector.load %arg10[%get3A_108, %get3A_109] : memref<5x128xf32, #tpu.memory_space<vmem>>, vector<5x128xf32>
    %reduce_sum3A = arith.constant dense<0.000000e+00> : vector<128xf32>
    %reduce_sum3A_111 = vector.multi_reduction <add>, %get3A_110, %reduce_sum3A [0] : vector<5x128xf32> to vector<128xf32>
    %broadcast_in_dim3A = vector.shape_cast %reduce_sum3A_111 : vector<128xf32> to vector<1x128xf32>
    %add3A_112 = vector.broadcast %broadcast_in_dim3A : vector<1x128xf32> to vector<512x128xf32>
    %add3A_113 = arith.addf %add3A_107, %add3A_112 : vector<512x128xf32>
    %convert_element_type3A_114 = arith.truncf %get3A_9 : vector<512x128xf32> to vector<512x128xbf16>
    %get3A_115 = arith.constant 0 : index
    %get3A_116 = arith.constant 0 : index
    %get3A_117 = arith.constant 0 : index
    %get3A_118 = vector.load %arg11[%get3A_115, %get3A_116, %get3A_117] : memref<5x128x128xbf16, #tpu.memory_space<vmem>>, vector<1x128x128xbf16>
    %get3A_119 = vector.shape_cast %get3A_118 : vector<1x128x128xbf16> to vector<128x128xbf16>
    %dot_general3A_120 = arith.constant dense<0.000000e+00> : vector<512x128xf32>
    %dot_general3A_121 = tpu.matmul %convert_element_type3A_114, %get3A_119, %dot_general3A_120 {dimension_numbers = #tpu.dot_dimension_numbers<[1], [1], [0], [0], [0, 0, 1, 0], [], []>, transpose_lhs_hint = false} : vector<512x128xbf16>, vector<128x128xbf16>, vector<512x128xf32> -> vector<512x128xf32>
    %convert_element_type3A_122 = arith.truncf %get3A_61 : vector<512x128xf32> to vector<512x128xbf16>
    %get3A_123 = arith.constant 1 : index
    %get3A_124 = arith.constant 0 : index
    %get3A_125 = arith.constant 0 : index
    %get3A_126 = vector.load %arg11[%get3A_123, %get3A_124, %get3A_125] : memref<5x128x128xbf16, #tpu.memory_space<vmem>>, vector<1x128x128xbf16>
    %get3A_127 = vector.shape_cast %get3A_126 : vector<1x128x128xbf16> to vector<128x128xbf16>
    %dot_general3A_128 = arith.constant dense<0.000000e+00> : vector<512x128xf32>
    %dot_general3A_129 = tpu.matmul %convert_element_type3A_122, %get3A_127, %dot_general3A_128 {dimension_numbers = #tpu.dot_dimension_numbers<[1], [1], [0], [0], [0, 0, 1, 0], [], []>, transpose_lhs_hint = false} : vector<512x128xbf16>, vector<128x128xbf16>, vector<512x128xf32> -> vector<512x128xf32>
    %add3A_130 = arith.addf %dot_general3A_121, %dot_general3A_129 : vector<512x128xf32>
    %mul3A_131 = arith.mulf %get3A_61, %get3A_9 : vector<512x128xf32>
    %convert_element_type3A_132 = arith.truncf %mul3A_131 : vector<512x128xf32> to vector<512x128xbf16>
    %get3A_133 = arith.constant 2 : index
    %get3A_134 = arith.constant 0 : index
    %get3A_135 = arith.constant 0 : index
    %get3A_136 = vector.load %arg11[%get3A_133, %get3A_134, %get3A_135] : memref<5x128x128xbf16, #tpu.memory_space<vmem>>, vector<1x128x128xbf16>
    %get3A_137 = vector.shape_cast %get3A_136 : vector<1x128x128xbf16> to vector<128x128xbf16>
    %dot_general3A_138 = arith.constant dense<0.000000e+00> : vector<512x128xf32>
    %dot_general3A_139 = tpu.matmul %convert_element_type3A_132, %get3A_137, %dot_general3A_138 {dimension_numbers = #tpu.dot_dimension_numbers<[1], [1], [0], [0], [0, 0, 1, 0], [], []>, transpose_lhs_hint = false} : vector<512x128xbf16>, vector<128x128xbf16>, vector<512x128xf32> -> vector<512x128xf32>
    %add3A_140 = arith.addf %add3A_130, %dot_general3A_139 : vector<512x128xf32>
    %mul3A_141 = arith.mulf %dot_general3A_27, %get3A_9 : vector<512x128xf32>
    %convert_element_type3A_142 = arith.truncf %mul3A_141 : vector<512x128xf32> to vector<512x128xbf16>
    %get3A_143 = arith.constant 3 : index
    %get3A_144 = arith.constant 0 : index
    %get3A_145 = arith.constant 0 : index
    %get3A_146 = vector.load %arg11[%get3A_143, %get3A_144, %get3A_145] : memref<5x128x128xbf16, #tpu.memory_space<vmem>>, vector<1x128x128xbf16>
    %get3A_147 = vector.shape_cast %get3A_146 : vector<1x128x128xbf16> to vector<128x128xbf16>
    %dot_general3A_148 = arith.constant dense<0.000000e+00> : vector<512x128xf32>
    %dot_general3A_149 = tpu.matmul %convert_element_type3A_142, %get3A_147, %dot_general3A_148 {dimension_numbers = #tpu.dot_dimension_numbers<[1], [1], [0], [0], [0, 0, 1, 0], [], []>, transpose_lhs_hint = false} : vector<512x128xbf16>, vector<128x128xbf16>, vector<512x128xf32> -> vector<512x128xf32>
    %add3A_150 = arith.addf %add3A_140, %dot_general3A_149 : vector<512x128xf32>
    %convert_element_type3A_151 = arith.truncf %dot_general3A_27 : vector<512x128xf32> to vector<512x128xbf16>
    %get3A_152 = arith.constant 4 : index
    %get3A_153 = arith.constant 0 : index
    %get3A_154 = arith.constant 0 : index
    %get3A_155 = vector.load %arg11[%get3A_152, %get3A_153, %get3A_154] : memref<5x128x128xbf16, #tpu.memory_space<vmem>>, vector<1x128x128xbf16>
    %get3A_156 = vector.shape_cast %get3A_155 : vector<1x128x128xbf16> to vector<128x128xbf16>
    %dot_general3A_157 = arith.constant dense<0.000000e+00> : vector<512x128xf32>
    %dot_general3A_158 = tpu.matmul %convert_element_type3A_151, %get3A_156, %dot_general3A_157 {dimension_numbers = #tpu.dot_dimension_numbers<[1], [1], [0], [0], [0, 0, 1, 0], [], []>, transpose_lhs_hint = false} : vector<512x128xbf16>, vector<128x128xbf16>, vector<512x128xf32> -> vector<512x128xf32>
    %add3A_159 = arith.addf %add3A_150, %dot_general3A_158 : vector<512x128xf32>
    %get3A_160 = arith.constant 0 : index
    %get3A_161 = arith.constant 0 : index
    %get3A_162 = vector.load %arg12[%get3A_160, %get3A_161] : memref<5x128xf32, #tpu.memory_space<vmem>>, vector<5x128xf32>
    %reduce_sum3A_163 = arith.constant dense<0.000000e+00> : vector<128xf32>
    %reduce_sum3A_164 = vector.multi_reduction <add>, %get3A_162, %reduce_sum3A_163 [0] : vector<5x128xf32> to vector<128xf32>
    %broadcast_in_dim3A_165 = vector.shape_cast %reduce_sum3A_164 : vector<128xf32> to vector<1x128xf32>
    %add3A_166 = vector.broadcast %broadcast_in_dim3A_165 : vector<1x128xf32> to vector<512x128xf32>
    %add3A_167 = arith.addf %add3A_159, %add3A_166 : vector<512x128xf32>
    %ge3A = arith.constant 0.000000e+00 : f32
    %ge3A_168 = vector.broadcast %ge3A : f32 to vector<512x128xf32>
    %ge3A_169 = arith.cmpf oge, %add3A_113, %ge3A_168 : vector<512x128xf32>
    %mul3A_170 = arith.constant 0.00999999977 : f32
    %mul3A_171 = vector.broadcast %mul3A_170 : f32 to vector<512x128xf32>
    %mul3A_172 = arith.mulf %mul3A_171, %add3A_113 : vector<512x128xf32>
    %select_n3A = arith.select %ge3A_169, %add3A_113, %mul3A_172 : vector<512x128xi1>, vector<512x128xf32>
    %mul3A_173 = arith.mulf %select_n3A, %select_n3A : vector<512x128xf32>
    %reduce_sum3A_174 = arith.constant dense<0.000000e+00> : vector<512xf32>
    %reduce_sum3A_175 = vector.multi_reduction <add>, %mul3A_173, %reduce_sum3A_174 [1] : vector<512x128xf32> to vector<512xf32>
    %broadcast_in_dim3A_176 = vector.shape_cast %reduce_sum3A_175 : vector<512xf32> to vector<512x1xf32>
    %sqrt3A = math.sqrt %broadcast_in_dim3A_176 : vector<512x1xf32>
    %max3A = arith.constant 9.99999996E-13 : f32
    %max3A_177 = vector.broadcast %max3A : f32 to vector<512x1xf32>
    %max3A_178 = arith.maximumf %sqrt3A, %max3A_177 : vector<512x1xf32>
    %div3A = vector.broadcast %max3A_178 : vector<512x1xf32> to vector<512x128xf32>
    %div3A_179 = arith.divf %select_n3A, %div3A : vector<512x128xf32>
    %swap3A_180 = arith.constant 0 : index
    %swap3A_181 = arith.constant 0 : index
    %swap3A_182 = vector.load %arg15[%swap3A_180, %swap3A_181] : memref<512x128xf32, #tpu.memory_space<vmem>>, vector<512x128xf32>
    tpu.vector_store %arg15[%swap3A_180, %swap3A_181], %div3A_179 {strides = array<i32>} : memref<512x128xf32, #tpu.memory_space<vmem>>, vector<512x128xf32>,
    %ge3A_183 = arith.constant 0.000000e+00 : f32
    %ge3A_184 = vector.broadcast %ge3A_183 : f32 to vector<512x128xf32>
    %ge3A_185 = arith.cmpf oge, %add3A_167, %ge3A_184 : vector<512x128xf32>
    %mul3A_186 = arith.constant 0.00999999977 : f32
    %mul3A_187 = vector.broadcast %mul3A_186 : f32 to vector<512x128xf32>
    %mul3A_188 = arith.mulf %mul3A_187, %add3A_167 : vector<512x128xf32>
    %select_n3A_189 = arith.select %ge3A_185, %add3A_167, %mul3A_188 : vector<512x128xi1>, vector<512x128xf32>
    %mul3A_190 = arith.mulf %select_n3A_189, %select_n3A_189 : vector<512x128xf32>
    %reduce_sum3A_191 = arith.constant dense<0.000000e+00> : vector<512xf32>
    %reduce_sum3A_192 = vector.multi_reduction <add>, %mul3A_190, %reduce_sum3A_191 [1] : vector<512x128xf32> to vector<512xf32>
    %broadcast_in_dim3A_193 = vector.shape_cast %reduce_sum3A_192 : vector<512xf32> to vector<512x1xf32>
    %sqrt3A_194 = math.sqrt %broadcast_in_dim3A_193 : vector<512x1xf32>
    %max3A_195 = arith.constant 9.99999996E-13 : f32
    %max3A_196 = vector.broadcast %max3A_195 : f32 to vector<512x1xf32>
    %max3A_197 = arith.maximumf %sqrt3A_194, %max3A_196 : vector<512x1xf32>
    %div3A_198 = vector.broadcast %max3A_197 : vector<512x1xf32> to vector<512x128xf32>
    %div3A_199 = arith.divf %select_n3A_189, %div3A_198 : vector<512x128xf32>
    %swap3A_200 = arith.constant 0 : index
    %swap3A_201 = arith.constant 0 : index
    %swap3A_202 = vector.load %arg16[%swap3A_200, %swap3A_201] : memref<512x128xf32, #tpu.memory_space<vmem>>, vector<512x128xf32>
    tpu.vector_store %arg16[%swap3A_200, %swap3A_201], %div3A_199 {strides = array<i32>} : memref<512x128xf32, #tpu.memory_space<vmem>>, vector<512x128xf32>,
    %eq3A_203 = arith.constant 7 : i32
    %eq3A_204 = arith.cmpi eq, %arg0, %eq3A_203 : i32
    %convert_element_type3A_205 = arith.extui %eq3A_204 : i1 to i32
    %cond3A_206 = arith.constant 0 : i32
    %cond3A_207 = arith.cmpi ne, %convert_element_type3A_205, %cond3A_206 : i32
    scf.if %cond3A_207 {
      %get3A_208 = arith.constant 0 : index
      %get3A_209 = arith.constant 0 : index
      %get3A_210 = vector.load %arg18[%get3A_208, %get3A_209] : memref<256x128xf32, #tpu.memory_space<vmem>>, vector<256x128xf32>
      %get3A_211 = arith.constant 0 : index
      %get3A_212 = arith.constant 0 : index
      %get3A_213 = vector.load %arg19[%get3A_211, %get3A_212] : memref<256x128xf32, #tpu.memory_space<vmem>>, vector<256x128xf32>
      %get3A_214 = arith.constant 0 : index
      %get3A_215 = arith.constant 0 : index
      %get3A_216 = vector.load %arg20[%get3A_214, %get3A_215] : memref<256x128xf32, #tpu.memory_space<vmem>>, vector<256x128xf32>
      %convert_element_type3A_217 = arith.truncf %get3A_3 : vector<256x128xf32> to vector<256x128xbf16>
      %get3A_218 = arith.constant 0 : index
      %get3A_219 = arith.constant 0 : index
      %get3A_220 = arith.constant 0 : index
      %get3A_221 = vector.load %arg13[%get3A_218, %get3A_219, %get3A_220] : memref<5x128x128xbf16, #tpu.memory_space<vmem>>, vector<1x128x128xbf16>
      %get3A_222 = vector.shape_cast %get3A_221 : vector<1x128x128xbf16> to vector<128x128xbf16>
      %dot_general3A_223 = arith.constant dense<0.000000e+00> : vector<256x128xf32>
      %dot_general3A_224 = tpu.matmul %convert_element_type3A_217, %get3A_222, %dot_general3A_223 {dimension_numbers = #tpu.dot_dimension_numbers<[1], [1], [0], [0], [0, 0, 1, 0], [], []>, transpose_lhs_hint = false} : vector<256x128xbf16>, vector<128x128xbf16>, vector<256x128xf32> -> vector<256x128xf32>
      %convert_element_type3A_225 = arith.truncf %get3A_210 : vector<256x128xf32> to vector<256x128xbf16>
      %get3A_226 = arith.constant 1 : index
      %get3A_227 = arith.constant 0 : index
      %get3A_228 = arith.constant 0 : index
      %get3A_229 = vector.load %arg13[%get3A_226, %get3A_227, %get3A_228] : memref<5x128x128xbf16, #tpu.memory_space<vmem>>, vector<1x128x128xbf16>
      %get3A_230 = vector.shape_cast %get3A_229 : vector<1x128x128xbf16> to vector<128x128xbf16>
      %dot_general3A_231 = arith.constant dense<0.000000e+00> : vector<256x128xf32>
      %dot_general3A_232 = tpu.matmul %convert_element_type3A_225, %get3A_230, %dot_general3A_231 {dimension_numbers = #tpu.dot_dimension_numbers<[1], [1], [0], [0], [0, 0, 1, 0], [], []>, transpose_lhs_hint = false} : vector<256x128xbf16>, vector<128x128xbf16>, vector<256x128xf32> -> vector<256x128xf32>
      %add3A_233 = arith.addf %dot_general3A_224, %dot_general3A_232 : vector<256x128xf32>
      %mul3A_234 = arith.mulf %get3A_213, %get3A_3 : vector<256x128xf32>
      %convert_element_type3A_235 = arith.truncf %mul3A_234 : vector<256x128xf32> to vector<256x128xbf16>
      %get3A_236 = arith.constant 2 : index
      %get3A_237 = arith.constant 0 : index
      %get3A_238 = arith.constant 0 : index
      %get3A_239 = vector.load %arg13[%get3A_236, %get3A_237, %get3A_238] : memref<5x128x128xbf16, #tpu.memory_space<vmem>>, vector<1x128x128xbf16>
      %get3A_240 = vector.shape_cast %get3A_239 : vector<1x128x128xbf16> to vector<128x128xbf16>
      %dot_general3A_241 = arith.constant dense<0.000000e+00> : vector<256x128xf32>
      %dot_general3A_242 = tpu.matmul %convert_element_type3A_235, %get3A_240, %dot_general3A_241 {dimension_numbers = #tpu.dot_dimension_numbers<[1], [1], [0], [0], [0, 0, 1, 0], [], []>, transpose_lhs_hint = false} : vector<256x128xbf16>, vector<128x128xbf16>, vector<256x128xf32> -> vector<256x128xf32>
      %add3A_243 = arith.addf %add3A_233, %dot_general3A_242 : vector<256x128xf32>
      %mul3A_244 = arith.mulf %get3A_210, %get3A_3 : vector<256x128xf32>
      %convert_element_type3A_245 = arith.truncf %mul3A_244 : vector<256x128xf32> to vector<256x128xbf16>
      %get3A_246 = arith.constant 3 : index
      %get3A_247 = arith.constant 0 : index
      %get3A_248 = arith.constant 0 : index
      %get3A_249 = vector.load %arg13[%get3A_246, %get3A_247, %get3A_248] : memref<5x128x128xbf16, #tpu.memory_space<vmem>>, vector<1x128x128xbf16>
      %get3A_250 = vector.shape_cast %get3A_249 : vector<1x128x128xbf16> to vector<128x128xbf16>
      %dot_general3A_251 = arith.constant dense<0.000000e+00> : vector<256x128xf32>
      %dot_general3A_252 = tpu.matmul %convert_element_type3A_245, %get3A_250, %dot_general3A_251 {dimension_numbers = #tpu.dot_dimension_numbers<[1], [1], [0], [0], [0, 0, 1, 0], [], []>, transpose_lhs_hint = false} : vector<256x128xbf16>, vector<128x128xbf16>, vector<256x128xf32> -> vector<256x128xf32>
      %add3A_253 = arith.addf %add3A_243, %dot_general3A_252 : vector<256x128xf32>
      %convert_element_type3A_254 = arith.truncf %get3A_216 : vector<256x128xf32> to vector<256x128xbf16>
      %get3A_255 = arith.constant 4 : index
      %get3A_256 = arith.constant 0 : index
      %get3A_257 = arith.constant 0 : index
      %get3A_258 = vector.load %arg13[%get3A_255, %get3A_256, %get3A_257] : memref<5x128x128xbf16, #tpu.memory_space<vmem>>, vector<1x128x128xbf16>
      %get3A_259 = vector.shape_cast %get3A_258 : vector<1x128x128xbf16> to vector<128x128xbf16>
      %dot_general3A_260 = arith.constant dense<0.000000e+00> : vector<256x128xf32>
      %dot_general3A_261 = tpu.matmul %convert_element_type3A_254, %get3A_259, %dot_general3A_260 {dimension_numbers = #tpu.dot_dimension_numbers<[1], [1], [0], [0], [0, 0, 1, 0], [], []>, transpose_lhs_hint = false} : vector<256x128xbf16>, vector<128x128xbf16>, vector<256x128xf32> -> vector<256x128xf32>
      %add3A_262 = arith.addf %add3A_253, %dot_general3A_261 : vector<256x128xf32>
      %get3A_263 = arith.constant 0 : index
      %get3A_264 = arith.constant 0 : index
      %get3A_265 = vector.load %arg14[%get3A_263, %get3A_264] : memref<5x128xf32, #tpu.memory_space<vmem>>, vector<5x128xf32>
      %reduce_sum3A_266 = arith.constant dense<0.000000e+00> : vector<128xf32>
      %reduce_sum3A_267 = vector.multi_reduction <add>, %get3A_265, %reduce_sum3A_266 [0] : vector<5x128xf32> to vector<128xf32>
      %broadcast_in_dim3A_268 = vector.shape_cast %reduce_sum3A_267 : vector<128xf32> to vector<1x128xf32>
      %add3A_269 = vector.broadcast %broadcast_in_dim3A_268 : vector<1x128xf32> to vector<256x128xf32>
      %add3A_270 = arith.addf %add3A_262, %add3A_269 : vector<256x128xf32>
      %ge3A_271 = arith.constant 0.000000e+00 : f32
      %ge3A_272 = vector.broadcast %ge3A_271 : f32 to vector<256x128xf32>
      %ge3A_273 = arith.cmpf oge, %add3A_270, %ge3A_272 : vector<256x128xf32>
      %mul3A_274 = arith.constant 0.00999999977 : f32
      %mul3A_275 = vector.broadcast %mul3A_274 : f32 to vector<256x128xf32>
      %mul3A_276 = arith.mulf %mul3A_275, %add3A_270 : vector<256x128xf32>
      %select_n3A_277 = arith.select %ge3A_273, %add3A_270, %mul3A_276 : vector<256x128xi1>, vector<256x128xf32>
      %mul3A_278 = arith.mulf %select_n3A_277, %select_n3A_277 : vector<256x128xf32>
      %reduce_sum3A_279 = arith.constant dense<0.000000e+00> : vector<256xf32>
      %reduce_sum3A_280 = vector.multi_reduction <add>, %mul3A_278, %reduce_sum3A_279 [1] : vector<256x128xf32> to vector<256xf32>
      %broadcast_in_dim3A_281 = vector.shape_cast %reduce_sum3A_280 : vector<256xf32> to vector<256x1xf32>
      %sqrt3A_282 = math.sqrt %broadcast_in_dim3A_281 : vector<256x1xf32>
      %max3A_283 = arith.constant 9.99999996E-13 : f32
      %max3A_284 = vector.broadcast %max3A_283 : f32 to vector<256x1xf32>
      %max3A_285 = arith.maximumf %sqrt3A_282, %max3A_284 : vector<256x1xf32>
      %div3A_286 = vector.broadcast %max3A_285 : vector<256x1xf32> to vector<256x128xf32>
      %div3A_287 = arith.divf %select_n3A_277, %div3A_286 : vector<256x128xf32>
      %swap3A_288 = arith.constant 0 : index
      %swap3A_289 = arith.constant 0 : index
      %swap3A_290 = vector.load %arg17[%swap3A_288, %swap3A_289] : memref<256x128xf32, #tpu.memory_space<vmem>>, vector<256x128xf32>
      tpu.vector_store %arg17[%swap3A_288, %swap3A_289], %div3A_287 {strides = array<i32>} : memref<256x128xf32, #tpu.memory_space<vmem>>, vector<256x128xf32>,
    } else {
    }
    return
  }
  func.func @transform_0(%arg0: i32) -> (i32, i32) {
    %c0_i32 = arith.constant 0 : i32
    %c0_i32_0 = arith.constant 0 : i32
    %c0_i32_1 = arith.constant 0 : i32
    return %c0_i32, %c0_i32_0 : i32, i32
  }
  func.func @transform_1(%arg0: i32) -> (i32, i32) {
    %c0_i32 = arith.constant 0 : i32
    %c0_i32_0 = arith.constant 0 : i32
    return %arg0, %c0_i32 : i32, i32
  }
  func.func @transform_2(%arg0: i32) -> (i32, i32) {
    %c0_i32 = arith.constant 0 : i32
    %c0_i32_0 = arith.constant 0 : i32
    return %arg0, %c0_i32 : i32, i32
  }
  func.func @transform_3(%arg0: i32) -> (i32, i32) {
    %c0_i32 = arith.constant 0 : i32
    %c0_i32_0 = arith.constant 0 : i32
    return %arg0, %c0_i32 : i32, i32
  }
  func.func @transform_4(%arg0: i32) -> (i32, i32) {
    %c0_i32 = arith.constant 0 : i32
    %c0_i32_0 = arith.constant 0 : i32
    return %arg0, %c0_i32 : i32, i32
  }
  func.func @transform_5(%arg0: i32) -> (i32, i32) {
    %c0_i32 = arith.constant 0 : i32
    %c0_i32_0 = arith.constant 0 : i32
    return %arg0, %c0_i32 : i32, i32
  }
  func.func @transform_6(%arg0: i32) -> (i32, i32) {
    %c0_i32 = arith.constant 0 : i32
    %c0_i32_0 = arith.constant 0 : i32
    return %c0_i32, %arg0 : i32, i32
  }
  func.func @transform_7(%arg0: i32) -> (i32, i32) {
    %c0_i32 = arith.constant 0 : i32
    %c0_i32_0 = arith.constant 0 : i32
    return %c0_i32, %arg0 : i32, i32
  }
  func.func @transform_8(%arg0: i32) -> (i32, i32, i32) {
    %c0_i32 = arith.constant 0 : i32
    %c0_i32_0 = arith.constant 0 : i32
    %c0_i32_1 = arith.constant 0 : i32
    %c0_i32_2 = arith.constant 0 : i32
    return %c0_i32, %c0_i32_0, %c0_i32_1 : i32, i32, i32
  }
  func.func @transform_9(%arg0: i32) -> (i32, i32) {
    %c0_i32 = arith.constant 0 : i32
    %c0_i32_0 = arith.constant 0 : i32
    %c0_i32_1 = arith.constant 0 : i32
    return %c0_i32, %c0_i32_0 : i32, i32
  }
  func.func @transform_10(%arg0: i32) -> (i32, i32, i32) {
    %c0_i32 = arith.constant 0 : i32
    %c0_i32_0 = arith.constant 0 : i32
    %c0_i32_1 = arith.constant 0 : i32
    %c0_i32_2 = arith.constant 0 : i32
    return %c0_i32, %c0_i32_0, %c0_i32_1 : i32, i32, i32
  }
  func.func @transform_11(%arg0: i32) -> (i32, i32) {
    %c0_i32 = arith.constant 0 : i32
    %c0_i32_0 = arith.constant 0 : i32
    %c0_i32_1 = arith.constant 0 : i32
    return %c0_i32, %c0_i32_0 : i32, i32
  }
  func.func @transform_12(%arg0: i32) -> (i32, i32, i32) {
    %c0_i32 = arith.constant 0 : i32
    %c0_i32_0 = arith.constant 0 : i32
    %c0_i32_1 = arith.constant 0 : i32
    %c0_i32_2 = arith.constant 0 : i32
    return %c0_i32, %c0_i32_0, %c0_i32_1 : i32, i32, i32
  }
  func.func @transform_13(%arg0: i32) -> (i32, i32) {
    %c0_i32 = arith.constant 0 : i32
    %c0_i32_0 = arith.constant 0 : i32
    %c0_i32_1 = arith.constant 0 : i32
    return %c0_i32, %c0_i32_0 : i32, i32
  }
  func.func @transform_14(%arg0: i32) -> (i32, i32) {
    %c0_i32 = arith.constant 0 : i32
    %c0_i32_0 = arith.constant 0 : i32
    return %arg0, %c0_i32 : i32, i32
  }
  func.func @transform_15(%arg0: i32) -> (i32, i32) {
    %c0_i32 = arith.constant 0 : i32
    %c0_i32_0 = arith.constant 0 : i32
    return %arg0, %c0_i32 : i32, i32
  }
  func.func @transform_16(%arg0: i32) -> (i32, i32) {
    %c0_i32 = arith.constant 0 : i32
    %c0_i32_0 = arith.constant 0 : i32
    %c0_i32_1 = arith.constant 0 : i32
    return %c0_i32, %c0_i32_0 : i32, i32
  }
}

</mosaic_0001>

<sc_bundles>
// kernel: kernel.5.cloned.1.call-start
scs
__scs_entry_jumppad:
0x0: {  	(pc) =	sbr.rel $0x88, $3  }
0x1: {  	(tag) =	ssettag $0x0;
	lr =	simm.s32 $0x1  }
0x2: {  	[smem:$0x3F94] =	sst lr;
	_ =	strace $0xD0000000  }
0x3: {  	_ = 	snop  }
0x4: {  	_ = 	snop  }
0x5: {  	_ = 	snop  }
0x6: {  	_ = 	snop  }
0x7: {  	_ = 	snop  }
__scs_overlays_trampoline_lowered:
0x8: {  	[smem:$0x3FA3] =	sst s0  }
0x9: {  	[smem:$0x3FA4] =	sst s1  }
0xa: {  	[smem:$0x3FA5] =	sst s2  }
0xb: {  	[smem:$0x3FA6] =	sst s3  }
0xc: {  	[smem:$0x3FA7] =	sst s4  }
0xd: {  	[smem:$0x3FA8] =	sst s5  }
0xe: {  	[smem:$0x3FA9] =	sst s6  }
0xf: {  	[smem:$0x3FAA] =	sst s7  }
0x10: {  	[smem:$0x3FAB] =	sst s8  }
0x11: {  	[smem:$0x3FAC] =	sst s9;
	s0 =	simm.s32 @!p0 $0x0  }
0x12: {  	s1 =	sld [smem:$0x3F92];
	s0 =	simm.s32 @p0 $0x1  }
0x13: {  	[smem:$0x3FAD] =	sst s0;
	s0 =	simm.s32 @!p1 $0x0  }
0x14: {  	s2 =	sld [smem:$0x3F91];
	s0 =	simm.s32 @p1 $0x1  }
0x15: {  	[smem:$0x3FAE] =	sst s0;
	s0 =	simm.s32 @!p2 $0x0  }
0x16: {  	s3 =	sld [smem:$0x3FDB];
	s0 =	simm.s32 @p2 $0x1  }
0x17: {  	s4 =	simm.s32 $0x1BF5;
	[smem:$0x3FB0] =	sst s0  }
0x18: {  	s0 =	sld [smem:$0x3F93];
	_ =	swait.ge [sflag:s4], $0x0  }
0x19: {  	s7 =	sld [smem:$0x3F94]  }
0x1a: {  	s8 =	sadd.s32 $0xFFFFE003, lr  }
0x1b: {  	s9 =	sadd.s32 $0xFFFFFEF7, lr;
	s5 =	simm.s32 $0xFFFFFFFF;
	p2 =	slt.u32 s8, $0xFFFFF086  }
0x1c: {  	p1 =	slt.u32 s9, $0xF7A;
	s5 =	simm.s32 @!p2 $0x0  }
0x1d: {  	s5 =	simm.s32 @p1 $0x1;
	p0 =	seq.s32 s7, s2  }
0x1e: {  	s7 =	smul.u32 @!p0 $0xF7A, s2;
	p2 =	seq.s32 @!p0 s5, $0x0  }
0x1f: {  	s9 =	smul.u32 $0xF7A, s1;
	s8 =	simm.s32 @!p0 $0x1BF5;
	p2 =	por !p2, p0  }
0x20: {  	[sflag:s8] =	ssyncset.s32 @!p0 $0xFFFFF086;
	s6 =	sadd.s32 @!p0 s3, s7;
	s7 =	simm.s32 @!p0 $0x108  }
0x21: {  	s3 =	sadd.s32 s3, s9;
	s6 =	sadd.s32 @!p0 $0x88, s6;
	s7 =	simm.s32 @p2 $0x1082  }
0x22: {  	[simem:s7], [sflag:s8] =	dma.local @!p0 [hbm:s6], $0xF7A  }
0x23: {  	s9 =	sor.u32 $0xD0000000, s2;
	s6 =	simm.s32 $0x108;
	_ =	swait.ge @!p0 [sflag:s8], $0x0  }
0x24: {  	s3 =	sadd.s32 $0x88, s3;
	s6 =	simm.s32 @!p1 $0x1082;
	[sflag:s4] =	ssyncset.s32 $0xFFFFF086  }
0x25: {  	[simem:s6], [sflag:s4] =	dma.local [hbm:s3], $0xF7A  }
0x26: {  	[smem:$0x3F94] =	sst s1;
	(tag) =	ssettag s2;
	_ =	strace s9  }
0x27: {  	s1 =	sld [smem:$0x3FA4]  }
0x28: {  	s2 =	sld [smem:$0x3FA5]  }
0x29: {  	s4 =	sld [smem:$0x3FA7]  }
0x2a: {  	p0 =	seq.s32 s5, $0x0;
	s5 =	sld [smem:$0x3FA8]  }
0x2b: {  	s6 =	sld [smem:$0x3FA9]  }
0x2c: {  	s7 =	sld [smem:$0x3FAA]  }
0x2d: {  	s3 =	simm.s32 $0x108;
	s8 =	sld [smem:$0x3FAB]  }
0x2e: {  	s3 =	simm.s32 @!p0 $0x1082;
	s9 =	sld [smem:$0x3FAC]  }
0x2f: {  	lr =	sadd.s32 s0, s3;
	s0 =	sld [smem:$0x3FA3]  }
0x30: {  	s3 =	sld [smem:$0x3FA6]  }
0x31: {  	[smem:$0x3FAF] =	sst s10  }
0x32: {  	s10 =	sld [smem:$0x3FAD];
	_ =	sdelay $0x3  }
0x33: {  	p0 =	seq.s32 s10, $0x1;
	s10 =	sld [smem:$0x3FAF];
	_ =	sdelay $0x3  }
0x34: {  	[smem:$0x3FAF] =	sst s10  }
0x35: {  	s10 =	sld [smem:$0x3FAE];
	_ =	sdelay $0x3  }
0x36: {  	p1 =	seq.s32 s10, $0x1;
	s10 =	sld [smem:$0x3FAF];
	_ =	sdelay $0x3  }
0x37: {  	[smem:$0x3FAF] =	sst s10  }
0x38: {  	s10 =	sld [smem:$0x3FB0]  }
0x39: {  	_ = 	snop;
	(pc) =	sbr.ind lr, $3  }
0x3a: {  	_ = 	snop  }
0x3b: {  	_ = 	snop  }
0x3c: {  	p2 =	seq.s32 s10, $0x1;
	s10 =	sld [smem:$0x3FAF]  }
0x3d: {  	_ =	shalt  }
0x3e: {  	_ =	shalt  }
0x3f: {  	_ =	shalt  }
0x40: {  	_ =	shalt  }
0x41: {  	_ =	shalt  }
0x42: {  	_ =	shalt  }
0x43: {  	_ =	shalt  }
0x44: {  	_ =	shalt  }
0x45: {  	_ =	shalt  }
0x46: {  	_ =	shalt  }
0x47: {  	_ =	shalt  }
0x48: {  	_ =	shalt  }
0x49: {  	_ =	shalt  }
0x4a: {  	_ =	shalt  }
0x4b: {  	_ =	shalt  }
0x4c: {  	_ =	shalt  }
0x4d: {  	_ =	shalt  }
0x4e: {  	_ =	shalt  }
0x4f: {  	_ =	shalt  }
0x50: {  	_ =	shalt  }
0x51: {  	_ =	shalt  }
0x52: {  	_ =	shalt  }
0x53: {  	_ =	shalt  }
0x54: {  	_ =	shalt  }
0x55: {  	_ =	shalt  }
0x56: {  	_ =	shalt  }
0x57: {  	_ =	shalt  }
0x58: {  	_ =	shalt  }
0x59: {  	_ =	shalt  }
0x5a: {  	_ =	shalt  }
0x5b: {  	_ =	shalt  }
0x5c: {  	_ =	shalt  }
0x5d: {  	_ =	shalt  }
0x5e: {  	_ =	shalt  }
0x5f: {  	_ =	shalt  }
0x60: {  	_ =	shalt  }
0x61: {  	_ =	shalt  }
0x62: {  	_ =	shalt  }
0x63: {  	_ =	shalt  }
0x64: {  	_ =	shalt  }
0x65: {  	_ =	shalt  }
0x66: {  	_ =	shalt  }
0x67: {  	_ =	shalt  }
0x68: {  	_ =	shalt  }
0x69: {  	_ =	shalt  }
0x6a: {  	_ =	shalt  }
0x6b: {  	_ =	shalt  }
0x6c: {  	_ =	shalt  }
0x6d: {  	_ =	shalt  }
0x6e: {  	_ =	shalt  }
0x6f: {  	_ =	shalt  }
0x70: {  	_ =	shalt  }
0x71: {  	_ =	shalt  }
0x72: {  	_ =	shalt  }
0x73: {  	_ =	shalt  }
0x74: {  	_ =	shalt  }
0x75: {  	_ =	shalt  }
0x76: {  	_ =	shalt  }
0x77: {  	_ =	shalt  }
0x78: {  	_ =	shalt  }
0x79: {  	_ =	shalt  }
0x7a: {  	_ =	shalt  }
0x7b: {  	_ =	shalt  }
0x7c: {  	_ =	shalt  }
0x7d: {  	_ =	shalt  }
0x7e: {  	_ =	shalt  }
0x7f: {  	_ =	shalt  }
0x80: {  	_ =	shalt  }
0x81: {  	_ =	shalt  }
0x82: {  	_ =	shalt  }
0x83: {  	_ =	shalt  }
0x84: {  	_ =	shalt  }
0x85: {  	_ =	shalt  }
0x86: {  	_ =	shalt  }
0x87: {  	_ =	shalt  }
.Lfunc_end0:
.L_simem_size_0:
called_computation_lowered:
.L_overlay_start_0:
0x88: {  	s2 =	sld [smem:$0x3FD9]  }
0x89: {  	s3 =	sld [smem:$0x3FFE];
	_ =	sdelay $0x1  }
0x8a: {  	s1 =	srdreg.scid  }
0x8b: {  	s0 =	sand.u32 $0x1, s1  }
0x8c: {  	s15 =	sshll.u32 s0, $0xA;
	s2 =	sadd.s32 s3, s2  }
0x8d: {  	s2 =	sadd.s32 s2, s15  }
0x8e: {  	[smem:$0x3FBB] =	sst s2  }
0x8f: {  	_ = 	snop  }
0x90: {  	s2 =	sld [smem:$0x3FD0];
	_ =	sdelay $0x2  }
0x91: {  	s4 =	simm.s32 $0xA;
	s5 =	simm.s32 $0x10;
	s16 =	sld [smem:$0x3FC8]  }
0x92: {  	[smem:s5], [sflag:s4] =	dma.local [hbm:s2], $0x1  }
0x93: {  	_ =	swait.eq [sflag:s4], $0x1  }
0x94: {  	[sflag:s4] =	ssyncset.done $0x0  }
0x95: {  	s17 =	sld [smem:$0x10];
	[sflag:s4] =	ssyncadd.s32 $0xFFFFFFFF  }
0x96: {  	s18 =	sld [smem:$0x12];
	(tm) =	ssettm $0x1  }
0x97: {  	s19 =	sld [smem:$0x3FFB];
	_ =	sdelay $0x3  }
0x98: {  	_ =	strace s19  }
0x99: {  	s5 =	sld [smem:$0x3FFC];
	_ =	sdelay $0x3  }
0x9a: {  	_ =	strace s5  }
0x9b: {  	s5 =	sld [smem:$0x3FFD];
	_ =	sdelay $0x3  }
0x9c: {  	_ =	strace s5  }
0x9d: {  	_ =	strace $0x8FFFFFFF  }
0x9e: {  	s20 =	sld [smem:$0x3FDB];
	_ =	sdelay $0x1  }
0x9f: {  	s6 =	simm.s32 $_scs_section_size  }
0xa0: {  	s7 =	simm.s32 $_size__tile_overlayer_lowered;
	s8 =	simm.s32 $_tile_overlayer_lowered  }
0xa1: {  	s23 =	simm.s32 $0x1BFF;
	s22 =	sshll.u32 s8, $0x1;
	s5 =	sadd.s32 s6, s20  }
0xa2: {  	s9 =	simm.s32 $0x0;
	s21 =	sshll.u32 s7, $0x1;
	s7 =	sadd.s32 s22, s5  }
0xa3: {  	[timem:s9], [sflag:s23] =	dma.local [hbm:s7], s21  }
0xa4: {  	_ =	swait.ge [sflag:s23], s21  }
0xa5: {  	s6 =	ssub.s32 $0x0, s21;
	[sflag:s23] =	ssyncset.done $0x0  }
0xa6: {  	[sflag:s23] =	ssyncadd.s32 s6;
	_ =	sdelay $0x1  }
0xa7: {  	s24 =	simm.s32 $0x1B8B  }
0xa8: {  	_ =	swait.ge [sflag:s24], $0x1  }
0xa9: {  	[sflag:s24] =	ssyncset.done $0x0  }
0xaa: {  	s25 =	simm.s32 $0x1B8E;
	[sflag:s24] =	ssyncadd.s32 $0xFFFFFFFF  }
0xab: {  	s26 =	simm.s32 $execute0_lowered;
	[smem:$0x3FD2] =	sst s25  }
0xac: {  	s6 =	sshll.u32 s26, $0x1;
	_ =	strace $0x80000046;
	[dreg:$0x1] =	wrdreg $0xFFFFFFFF  }
0xad: {  	s28 =	simm.s32 $_size_execute0_lowered;
	s5 =	sadd.s32 s5, s6;
	[dreg:$0x0] =	wrdreg $0x0  }
0xae: {  	s6 =	sshll.u32 s28, $0x1;
	[dreg:$0x2] =	wrdreg s5  }
0xaf: {  	[dreg:$0x3] =	wrdreg s6  }
0xb0: {  	[dreg:$0x4] =	wrdreg $0xC0  }
0xb1: {  	_ =	task [dreg:s9], $0x5FFFF  }
0xb2: {  	[dreg:$0x1] =	wrdreg $0xFFFFFFFF  }
0xb3: {  	[dreg:$0x0] =	wrdreg $0x60  }
0xb4: {  	[dreg:$0x2] =	wrdreg s16  }
0xb5: {  	[dreg:$0x3] =	wrdreg s17  }
0xb6: {  	[dreg:$0x4] =	wrdreg s18  }
0xb7: {  	[dreg:$0x5] =	wrdreg $0x9  }
0xb8: {  	_ =	task.clear_ibuf [dreg:s9], $0x6FFFF;
	_ =	strace $0x90000046  }
0xb9: {  	s29 =	simm.s32 $0x9;
	_ =	strace $0x80000048  }
0xba: {  	_ =	swait.ge [sflag:s29], $0x1  }
0xbb: {  	[sflag:s29] =	ssyncadd.s32 $0xFFFFFFFF  }
0xbc: {  	_ =	strace $0x90000048  }
0xbd: {  	_ =	sfence  }
0xbe: {  	s30 =	sld [smem:$0x0];
	_ =	sdelay $0x2  }
0xbf: {  	s31 =	sshll.u32 s1, $0xD;
	s1 =	sshrl.u32 s1, $0x2  }
0xc0: {  	s3 =	sand.u32 $0x4000, s31;
	s1 =	sadd.s32 s1, s30  }
0xc1: {  	s0 =	sor.u32 s3, s0;
	s1 =	sshll.u32 s1, $0x11  }
0xc2: {  	s0 =	sor.u32 s1, s0  }
0xc3: {  	s0 =	sadd.s32 $0x8F2B, s0  }
0xc4: {  	[sflag:s0] =	ssyncadd.remote.s32 $0x1  }
0xc5: {  	_ =	sfence.sel $0xFFFF  }
0xc6: {  	[dreg:$0x0] =	wrdreg $0xFFFFFFFF;
	(pc) =	sbr.abs _section_cstart, $3  }
0xc7: {  	[dreg:$0x1] =	wrdreg $0xFFFFFFFF  }
0xc8: {  	_ =	task.clear_ibuf [dreg:s9], $0x2FFFF;
	_ =	strace $0x9FFFFFFF  }
0xc9: {  	(tm) =	ssettm $0x7FFFFFFF  }
tec
execute0_lowered:
.L_overlay_start_1:
0x0: {  	(tag) =	ssettag $0x1  }
0x1: {  	s1 =	rddreg [dreg:$0x0]  }
0x2: {  	s2 =	srdreg.scid;
	s4 =	rddreg [dreg:$0x1]  }
0x3: {  	s0 =	stileid.u32;
	s9 =	rddreg [dreg:$0x2];
	s6 =	sand.u32 $0x1, s2  }
0x4: {  	s3 =	simm.s32 $0x0;
	s5 =	sshll.u32 s0, $0x7;
	s7 =	sshll.u32 s6, $0x6  }
0x5: {  	[smem:$0x7FF] =	sst s3;
	s10 =	sor.u32 s7, s5  }
0x6: {  	s2 =	rddreg [dreg:$0x3];
	_ =	strace $0x80000047;
	s5 =	sshrl.u32 s10, $0x3  }
0x7: {  	s11 =	ssub.s32 $0x2, s6;
	s5 =	sadd.s32 s4, s5;
	s4 =	simm.s32 $0x2  }
0x8: {  	[tilespmem:s3], [sflag:$0x2] =	stream.linear.gather [hbm4b:s5+s3], $0x40, $0x38;
	[tilespmem:$0x2080] =	vst v63  }
0x9: {  	s8 =	simm.s32 $0x1;
	s12 =	sshrl.u32 s11, $0x1;
	_ =	swait.ge [sflag:s4], $0x40  }
0xa: {  	s6 =	simm.s32 $0x40;
	s11 =	ssub.s32 s11, s12;
	[sflag:s4] =	ssyncset.done $0x0  }
0xb: {  	s7 =	simm.s32 $0x80;
	s31 =	smax.u32 s11, $0x1;
	[sflag:s4] =	ssyncadd.s32 $0xFFFFFFC0  }
0xc: {  	[tilespmem:s7], [sflag:$0x1] =	stream.indirect.gather [hbm4b:s1+s6], $0x80, s3, s6, $0xb8;
	[tilespmem:$0x2080] =	vst v63  }
0xd: {  	p0 =	sne.s32 s31, $0x1;
	_ =	swait.ge [sflag:s8], $0x2000  }
.Ltmp0:
0xe: {  	s10 =	sshll.u32 s10, $0x4;
	[sflag:s8] =	ssyncset.done $0x0;
	(pc) =	sbr.rel @!p0 .LBB2_2-.Ltmp0, $4  }
0xf: {  	s9 =	sadd.s32 s9, s10;
	[sflag:s8] =	ssyncadd.s32 $0xFFFFE000  }
0x10: {  	[hbm4b:s9+s3] =	stream.linear.scatter [tilespmem:s7], [sflag:$0x2], $0x2000, $0x38;
	[tilespmem:$0x2080] =	vst v63  }
0x11: {  	_ =	swait.ge [sflag:s4], $0x2000  }
0x12: {  	s10 =	sadd.s32 $0xFFFFFFFF, s31;
	[sflag:s4] =	ssyncset.done $0x0  }
.LBB2_1:
0x13: {  	p0 =	sne.s32 s10, $0x1;
	s10 =	sadd.s32 $0xFFFFFFFF, s10;
	[sflag:s4] =	ssyncadd.s32 $0xFFFFE000  }
0x14: {  	[tilespmem:s3], [sflag:$0x2] =	stream.linear.gather [hbm4b:s5+s3], $0x40, $0x38;
	[tilespmem:$0x2080] =	vst v63  }
0x15: {  	_ =	swait.ge [sflag:s4], $0x40  }
0x16: {  	[sflag:s4] =	ssyncset.done $0x0  }
0x17: {  	[sflag:s4] =	ssyncadd.s32 $0xFFFFFFC0  }
0x18: {  	[tilespmem:s7], [sflag:$0x1] =	stream.indirect.gather [hbm4b:s1+s6], $0x80, s3, s6, $0xb8;
	[tilespmem:$0x2080] =	vst v63  }
0x19: {  	_ =	swait.ge [sflag:s8], $0x2000  }
.Ltmp1:
0x1a: {  	[sflag:s8] =	ssyncset.done $0x0;
	(pc) =	sbr.rel @p0 .LBB2_1-.Ltmp1, $4  }
0x1b: {  	[sflag:s8] =	ssyncadd.s32 $0xFFFFE000  }
0x1c: {  	[hbm4b:s9+s3] =	stream.linear.scatter [tilespmem:s7], [sflag:$0x2], $0x2000, $0x38;
	[tilespmem:$0x2080] =	vst v63  }
0x1d: {  	_ =	swait.ge [sflag:s4], $0x2000  }
0x1e: {  	[sflag:s4] =	ssyncset.done $0x0  }
.LBB2_2:
0x1f: {  	[sflag:s4] =	ssyncadd.s32 $0xFFFFE000  }
0x20: {  	_ =	sfence.sel $0x180000  }
0x21: {  	[bflag:$0x0] =	sbarrier.arrive $0xFFFF  }
0x22: {  	p0 =	sne.s32 s0, $0x0;
	_ =	strace $0x90000047  }
0x23: {  	s0 =	sadd.s32 @!p0 $0x100000, s2;
	[bflag:$0x2] =	sbarrier.arrive $0xFFFF  }
0x24: {  	[sflag:s0] =	ssyncadd.tile.s32 @!p0 $0x1;
	_ =	shalt  }
.Lfunc_end2:
_tile_overlayer_lowered:
.L_overlay_start_2:
0x25: {  	(tag) =	ssettag $0x2  }
0x26: {  	s0 =	rddreg [dreg:$0x0];
	s2 =	stileid.u32  }
0x27: {  	s1 =	rddreg [dreg:$0x1];
	p0 =	sne.s32 s2, $0x0  }
0x28: {  	s3 =	rddreg [dreg:$0x2];
	[bflag:$0x3] =	sbarrier.arrive $0xFFFF;
	s2 =	simm.s32 @!p0 $0x1C02  }
0x29: {  	[timem:s3], [sflag:s2] =	dma.local @!p0 [hbm:s0], s1  }
0x2a: {  	s0 =	simm.s32 @!p0 $0x2  }
0x2b: {  	_ =	swait.ge @!p0 [sflag:s0], s1  }
0x2c: {  	s1 =	ssub.s32 @!p0 $0x0, s1;
	[sflag:s0] =	ssyncset.done @!p0 $0x0  }
0x2d: {  	[sflag:s0] =	ssyncadd.s32 @!p0 s1  }
0x2e: {  	[bflag:$0x3] =	sbarrier.arrive $0xFFFF  }
0x2f: {  	_ =	shalt  }

</sc_bundles>
